<compile_context>
chip_gen: v7x
topology: tpu7x:2x2x1
jax: 0.10.2.dev20260603
libtpu: 0.0.44.dev20260713+nightly
codegen_flags: <defaults>
</compile_context>

<pallas_src>
import functools

import jax
import jax.numpy as jnp
from jax import lax
from jax.experimental import pallas as pl
from jax.experimental.pallas import tpu as pltpu
from jax.experimental.pallas import tpu_sc as plsc

NC = 2
NS = 16
NW = NC * NS
LANES = 16
CHUNK = 128


def _make_deg_kernel(nacc, n_chunks, bw, off_e):
    mesh = plsc.VectorSubcoreMesh(core_axis_name="c", subcore_axis_name="s")
    ept = n_chunks * CHUNK

    @functools.partial(
        pl.kernel,
        out_type=jax.ShapeDtypeStruct((NW, nacc), jnp.float32),
        mesh=mesh,
        scratch_types=[
            pltpu.VMEM((ept,), jnp.int32),
            pltpu.VMEM((nacc,), jnp.float32),
        ],
        compiler_params=pltpu.CompilerParams(needs_layout_passes=False),
    )
    def deg_kernel(edges_hbm, out_hbm, dst_v, deg_v):
        c = lax.axis_index("c")
        s = lax.axis_index("s")
        wid = s * NC + c
        zeros16 = jnp.zeros((LANES,), jnp.float32)

        def zero_body(i, _):
            deg_v[pl.ds(i * LANES, LANES)] = zeros16
            return 0

        lax.fori_loop(0, nacc // LANES, zero_body, 0)

        @pl.when(wid < bw)
        def _():
            pltpu.sync_copy(edges_hbm.at[1, pl.ds(wid * ept, ept)], dst_v)

        if off_e:
            @pl.when(wid == bw)
            def _():
                pltpu.sync_copy(edges_hbm.at[1, pl.ds(bw * ept, off_e)],
                                dst_v.at[pl.ds(0, off_e)])

        n_real = jnp.where(wid < bw, ept, jnp.where(wid == bw, off_e, 0))
        ones16 = jnp.ones((LANES,), jnp.float32)

        def body(i, _):
            for u in range(4):
                idx = dst_v[pl.ds(i * (4 * LANES) + u * LANES, LANES)]
                plsc.addupdate_scatter(deg_v, [idx], ones16)
            return 0

        lax.fori_loop(0, n_real // (4 * LANES), body, 0)
        pltpu.sync_copy(deg_v, out_hbm.at[wid])

    return deg_kernel


def _make_agg_kernel(nacc, d, n_chunks, bw, off_e):
    mesh = plsc.VectorSubcoreMesh(core_axis_name="c", subcore_axis_name="s")
    rows_per_tile = nacc // NS
    ept = n_chunks * CHUNK

    @functools.partial(
        pl.kernel,
        out_type=jax.ShapeDtypeStruct((NC, nacc, d), jnp.float32),
        mesh=mesh,
        scratch_types=[
            pltpu.VMEM((ept,), jnp.int32),
            pltpu.VMEM((2, CHUNK), jnp.int32),
            pltpu.VMEM((CHUNK, d), jnp.float32),
            pltpu.VMEM((CHUNK, d), jnp.float32),
            pltpu.VMEM_SHARED((nacc, d), jnp.float32),
            pltpu.SemaphoreType.DMA,
            pltpu.SemaphoreType.DMA,
            pltpu.SemaphoreType.DMA,
            pltpu.SemaphoreType.DMA,
        ],
        compiler_params=pltpu.CompilerParams(needs_layout_passes=False),
    )
    def agg_kernel(edges_hbm, g_hbm, out_hbm, src_v, dst_d, rows_v,
                   rows_w, acc_sh, sem, sem2, sem3, sem4):
        c = lax.axis_index("c")
        s = lax.axis_index("s")
        wid = s * NC + c
        ebase = wid * ept
        zeros16 = jnp.zeros((LANES,), jnp.float32)

        @pl.when(wid < bw)
        def _():
            pltpu.async_copy(edges_hbm.at[0, pl.ds(ebase, ept)], src_v, sem2)

        if off_e:
            @pl.when(wid == bw)
            def _():
                pltpu.async_copy(edges_hbm.at[0, pl.ds(bw * ept, off_e)],
                                 src_v.at[pl.ds(0, off_e)], sem2)

        def zero_rows(i, _):
            for j in range(d // LANES):
                rows_v[i, pl.ds(j * LANES, LANES)] = zeros16
            return 0

        lax.fori_loop(0, CHUNK, zero_rows, 0)
        base = s * rows_per_tile

        def zero_acc(k, _):
            pltpu.async_copy(rows_v, acc_sh.at[pl.ds(base + k * CHUNK, CHUNK)],
                             sem)
            return 0

        lax.fori_loop(0, rows_per_tile // CHUNK, zero_acc, 0)
        rem = rows_per_tile % CHUNK
        if rem:
            pltpu.async_copy(
                rows_v.at[pl.ds(0, rem)],
                acc_sh.at[pl.ds(base + (rows_per_tile // CHUNK) * CHUNK, rem)],
                sem,
            )

        def zero_wait(k, _):
            pltpu.make_async_copy(
                rows_v, acc_sh.at[pl.ds(base + k * CHUNK, CHUNK)], sem).wait()
            return 0

        lax.fori_loop(0, rows_per_tile // CHUNK, zero_wait, 0)
        if rem:
            pltpu.make_async_copy(
                rows_v.at[pl.ds(0, rem)],
                acc_sh.at[pl.ds(base + (rows_per_tile // CHUNK) * CHUNK, rem)],
                sem,
            ).wait()
        plsc.subcore_barrier()

        @pl.when(wid < bw)
        def _():
            pltpu.make_async_copy(edges_hbm.at[0, pl.ds(ebase, ept)], src_v,
                                  sem2).wait()

        if off_e:
            @pl.when(wid == bw)
            def _():
                pltpu.make_async_copy(edges_hbm.at[0, pl.ds(bw * ept, off_e)],
                                      src_v.at[pl.ds(0, off_e)], sem2).wait()

        n_real = jnp.where(wid < bw, ept, jnp.where(wid == bw, off_e, 0))
        n_pairs = n_real // (2 * CHUNK)

        def src_at(j):
            return src_v.at[pl.ds(j * CHUNK, CHUNK)]

        def dst_hbm_at(j):
            return edges_hbm.at[1, pl.ds(ebase + j * CHUNK, CHUNK)]

        @pl.when(n_pairs > 0)
        def _():
            pltpu.async_copy(g_hbm.at[src_at(0)], rows_v, sem)
            pltpu.async_copy(dst_hbm_at(0), dst_d.at[0], sem3)

        def pair_body(jj, _):
            j = 2 * jj
            pltpu.async_copy(g_hbm.at[src_at(j + 1)], rows_w, sem2)
            pltpu.async_copy(dst_hbm_at(j + 1), dst_d.at[1], sem4)
            pltpu.make_async_copy(g_hbm.at[src_at(j)], rows_v, sem).wait()
            pltpu.make_async_copy(dst_hbm_at(j), dst_d.at[0], sem3).wait()
            pltpu.sync_copy(rows_v, acc_sh.at[dst_d.at[0]], add=True)

            @pl.when(jj + 1 < n_pairs)
            def _():
                pltpu.async_copy(g_hbm.at[src_at(j + 2)], rows_v, sem)
                pltpu.async_copy(dst_hbm_at(j + 2), dst_d.at[0], sem3)

            pltpu.make_async_copy(g_hbm.at[src_at(j + 1)], rows_w,
                                  sem2).wait()
            pltpu.make_async_copy(dst_hbm_at(j + 1), dst_d.at[1],
                                  sem4).wait()
            pltpu.sync_copy(rows_w, acc_sh.at[dst_d.at[1]], add=True)
            return 0

        lax.fori_loop(0, n_pairs, pair_body, 0)
        plsc.subcore_barrier()
        pltpu.sync_copy(acc_sh.at[pl.ds(base, rows_per_tile)],
                        out_hbm.at[c, pl.ds(base, rows_per_tile)])

    return agg_kernel


def _dinv_col(degp_block):
    deg_row = jnp.sum(degp_block, axis=0, keepdims=True) + 1.0
    return lax.rsqrt(jnp.transpose(deg_row))


def _h_body(x_ref, w_ref, h_ref):
    h_ref[...] = jnp.dot(x_ref[...], w_ref[...],
                         preferred_element_type=jnp.float32)


def _g_body(h_ref, degp_ref, g_ref):
    g_ref[...] = h_ref[...] * _dinv_col(degp_ref[...])


def _out_body(acc_ref, g_ref, degp_ref, b_ref, o_ref):
    a = acc_ref[0] + acc_ref[1]
    o_ref[...] = _dinv_col(degp_ref[...]) * (a + g_ref[...]) + b_ref[...]


def kernel(x, edge_index, W, b):
    n, d_in = x.shape
    d_out = W.shape[1]
    e = edge_index.shape[1]

    rpt = (((n + 1 + NS - 1) // NS + 7) // 8) * 8
    nacc = rpt * NS
    n_chunks = (e + NW * CHUNK - 1) // (NW * CHUNK)
    n_chunks += n_chunks % 2
    ept = n_chunks * CHUNK
    bw = e // ept
    off_e = e - bw * ept
    assert off_e % (2 * CHUNK) == 0 and e % LANES == 0

    edges = edge_index.astype(jnp.int32)
    degp = _make_deg_kernel(nacc, n_chunks, bw, off_e)(edges)

    bn = 2048
    grid = ((n + bn - 1) // bn,)
    h = pl.pallas_call(
        _h_body,
        grid=grid,
        in_specs=[
            pl.BlockSpec((bn, d_in), lambda i: (i, 0)),
            pl.BlockSpec((d_in, d_out), lambda i: (0, 0)),
        ],
        out_specs=pl.BlockSpec((bn, d_out), lambda i: (i, 0)),
        out_shape=jax.ShapeDtypeStruct((n, d_out), jnp.float32),
    )(x, W)

    g = pl.pallas_call(
        _g_body,
        grid=grid,
        in_specs=[
            pl.BlockSpec((bn, d_out), lambda i: (i, 0)),
            pl.BlockSpec((NW, bn), lambda i: (0, i)),
        ],
        out_specs=pl.BlockSpec((bn, d_out), lambda i: (i, 0)),
        out_shape=jax.ShapeDtypeStruct((n, d_out), jnp.float32),
    )(h, degp)

    acc = _make_agg_kernel(nacc, d_out, n_chunks, bw, off_e)(edges, g)

    out = pl.pallas_call(
        _out_body,
        grid=grid,
        in_specs=[
            pl.BlockSpec((NC, bn, d_out), lambda i: (0, i, 0)),
            pl.BlockSpec((bn, d_out), lambda i: (i, 0)),
            pl.BlockSpec((NW, bn), lambda i: (0, i)),
            pl.BlockSpec((1, d_out), lambda i: (0, 0)),
        ],
        out_specs=pl.BlockSpec((bn, d_out), lambda i: (i, 0)),
        out_shape=jax.ShapeDtypeStruct((n, d_out), jnp.float32),
    )(acc, g, degp, b.reshape(1, d_out))
    return out

# --- scband reference (transcript-rebuilt; emitter-appended) ---
"""Pipeline reference for scband-graph-decoder-5549097746901 (READ-ONLY COPY).

The authoritative reference and input builder live on the scoring server;
editing this copy changes nothing except your own understanding.
"""

import jax, jax.numpy as jnp
import numpy as np

N_NODES = 10000
N_EDGES = 320000
D_IN = 128
D_OUT = 128


def setup_inputs(seed: int = 0) -> dict:
    key = jax.random.key(seed)
    k1, k2, k3 = jax.random.split(key, 3)
    x = jax.random.normal(k1, (N_NODES, D_IN), dtype=jnp.float32)
    edge_index = jax.random.randint(k2, (2, N_EDGES), 0, N_NODES, dtype=jnp.int64)
    # GCNConv learned parameters (glorot-scaled weight, zero bias)
    scale = jnp.sqrt(2.0 / (D_IN + D_OUT)).astype(jnp.float32)
    W = jax.random.normal(k3, (D_IN, D_OUT), dtype=jnp.float32) * scale
    b = jnp.zeros((D_OUT,), dtype=jnp.float32)
    return {"x": x, "edge_index": edge_index, "W": W, "b": b}


def reference(x, edge_index, W, b):
    # GraphDecoder.forward: x = self.conv1(x, edge_index)
    # conv1 modeled as a GCNConv(in_channels=128, out_channels=128) with
    # self-loops and symmetric degree normalization.
    N = x.shape[0]
    src = edge_index[0]
    dst = edge_index[1]
    # add self loops
    loop = jnp.arange(N, dtype=edge_index.dtype)
    src = jnp.concatenate([src, loop], axis=0)
    dst = jnp.concatenate([dst, loop], axis=0)
    # linear transform
    h = x @ W
    # symmetric normalization deg^{-1/2}[src] * deg^{-1/2}[dst]
    ones = jnp.ones((src.shape[0],), dtype=jnp.float32)
    deg = jax.ops.segment_sum(ones, dst, num_segments=N)
    deg_inv_sqrt = jnp.where(deg > 0, jax.lax.rsqrt(deg), 0.0)
    norm = deg_inv_sqrt[src] * deg_inv_sqrt[dst]
    # gather messages from src, scale, scatter-add into dst
    msgs = h[src] * norm[:, None]
    out = jnp.zeros((N, h.shape[1]), dtype=h.dtype).at[dst].add(msgs)
    out = out + b
    return out

if __name__ == "__main__":
    import jax
    _d = setup_inputs()
    print(jax.jit(kernel)(*tuple(_d.values())))

</pallas_src>

<mosaic_0001>
#map = affine_map<(d0, d1) -> (0, 0)>
#map1 = affine_map<(d0, d1) -> (0, 0, 0)>
module attributes {stable_mosaic.version = 14 : i64} {
  func.func @agg_kernel(%arg0: i32, %arg1: i32, %arg2: memref<2x320000xi32, #tpu.memory_space<hbm>>, %arg3: memref<10000x128xf32, #tpu.memory_space<hbm>>, %arg4: memref<2x10112x128xf32, #tpu.memory_space<hbm>>, %arg5: memref<10240xi32, #tpu.memory_space<vmem>>, %arg6: memref<2x128xi32, #tpu.memory_space<vmem>>, %arg7: memref<128x128xf32, #tpu.memory_space<vmem>>, %arg8: memref<128x128xf32, #tpu.memory_space<vmem>>, %arg9: memref<10112x128xf32, #tpu.memory_space<vmem_shared>>, %arg10: memref<!tpu.dma_semaphore, #tpu.memory_space<semaphore_mem>>, %arg11: memref<!tpu.dma_semaphore, #tpu.memory_space<semaphore_mem>>, %arg12: memref<!tpu.dma_semaphore, #tpu.memory_space<semaphore_mem>>, %arg13: memref<!tpu.dma_semaphore, #tpu.memory_space<semaphore_mem>>) attributes {dimension_semantics = [#tpu.dimension_semantics<core_parallel>, #tpu.dimension_semantics<subcore_parallel>], iteration_bounds = array<i64: 2, 16>, scalar_prefetch = 0 : i64, scratch_operands = 9 : i64, tpu.core_type = #tpu.core_type<sc_vector_subcore>, window_params = [{transform_indices = #map}, {transform_indices = #map}, {transform_indices = #map1}]} {
    %mul3A = arith.constant 2 : i32
    %mul3A_0 = arith.muli %arg1, %mul3A : i32
    %add3A = arith.addi %mul3A_0, %arg0 : i32
    %mul3A_1 = arith.constant 10240 : i32
    %mul3A_2 = arith.muli %add3A, %mul3A_1 : i32
    %broadcast_in_dim3A = arith.constant 0.000000e+00 : f32
    %broadcast_in_dim3A_3 = vector.broadcast %broadcast_in_dim3A : f32 to vector<16xf32>
    %lt3A = arith.constant 31 : i32
    %lt3A_4 = arith.cmpi slt, %add3A, %lt3A : i32
    %convert_element_type3A = arith.extui %lt3A_4 : i1 to i32
    %cond3A = arith.constant 0 : i32
    %cond3A_5 = arith.cmpi ne, %convert_element_type3A, %cond3A : i32
    scf.if %cond3A_5 {
      %dma_start3A_105 = arith.constant 0 : i32
      %dma_start3A_106 = tpu.memref_slice %arg2[%dma_start3A_105, %mul3A_2] : memref<2x320000xi32, #tpu.memory_space<hbm>> -> memref<1x10240xi32, #tpu.memory_space<hbm>>
      %dma_start3A_107 = tpu.memref_squeeze %dma_start3A_106 : memref<1x10240xi32, #tpu.memory_space<hbm>> -> memref<10240xi32, #tpu.memory_space<hbm>>
      %dma_start3A_108 = tpu.memref_slice %arg2[%dma_start3A_105, %mul3A_2] : memref<2x320000xi32, #tpu.memory_space<hbm>> -> memref<1x10240xi32, #tpu.memory_space<hbm>>
      %dma_start3A_109 = tpu.memref_squeeze %dma_start3A_108 : memref<1x10240xi32, #tpu.memory_space<hbm>> -> memref<10240xi32, #tpu.memory_space<hbm>>
      tpu.enqueue_dma source(%dma_start3A_109 : memref<10240xi32, #tpu.memory_space<hbm>>) target(%arg5 : memref<10240xi32, #tpu.memory_space<vmem>>) target_semaphore(%arg11 : memref<!tpu.dma_semaphore, #tpu.memory_space<semaphore_mem>>)
    } else {
    }
    %eq3A = arith.constant 31 : i32
    %eq3A_6 = arith.cmpi eq, %add3A, %eq3A : i32
    %convert_element_type3A_7 = arith.extui %eq3A_6 : i1 to i32
    %cond3A_8 = arith.constant 0 : i32
    %cond3A_9 = arith.cmpi ne, %convert_element_type3A_7, %cond3A_8 : i32
    scf.if %cond3A_9 {
      %dma_start3A_105 = arith.constant 0 : i32
      %dma_start3A_106 = arith.constant 0 : i32
      %dma_start3A_107 = tpu.memref_slice %arg5[%dma_start3A_106] : memref<10240xi32, #tpu.memory_space<vmem>> -> memref<2560xi32, #tpu.memory_space<vmem>>
      %dma_start3A_108 = arith.constant 317440 : i32
      %dma_start3A_109 = tpu.memref_slice %arg2[%dma_start3A_105, %dma_start3A_108] : memref<2x320000xi32, #tpu.memory_space<hbm>> -> memref<1x2560xi32, #tpu.memory_space<hbm>>
      %dma_start3A_110 = tpu.memref_squeeze %dma_start3A_109 : memref<1x2560xi32, #tpu.memory_space<hbm>> -> memref<2560xi32, #tpu.memory_space<hbm>>
      %dma_start3A_111 = arith.constant 0 : i32
      %dma_start3A_112 = tpu.memref_slice %arg5[%dma_start3A_111] : memref<10240xi32, #tpu.memory_space<vmem>> -> memref<2560xi32, #tpu.memory_space<vmem>>
      %dma_start3A_113 = arith.constant 317440 : i32
      %dma_start3A_114 = tpu.memref_slice %arg2[%dma_start3A_105, %dma_start3A_113] : memref<2x320000xi32, #tpu.memory_space<hbm>> -> memref<1x2560xi32, #tpu.memory_space<hbm>>
      %dma_start3A_115 = tpu.memref_squeeze %dma_start3A_114 : memref<1x2560xi32, #tpu.memory_space<hbm>> -> memref<2560xi32, #tpu.memory_space<hbm>>
      tpu.enqueue_dma source(%dma_start3A_115 : memref<2560xi32, #tpu.memory_space<hbm>>) target(%dma_start3A_112 : memref<2560xi32, #tpu.memory_space<vmem>>) target_semaphore(%arg11 : memref<!tpu.dma_semaphore, #tpu.memory_space<semaphore_mem>>)
    } else {
    }
    %scan3A = arith.constant 0 : i32
    %scan3A_10 = arith.constant 0 : i32
    %scan3A_11 = arith.constant 128 : i32
    %scan3A_12 = arith.addi %scan3A_10, %scan3A_11 : i32
    %scan3A_13 = arith.constant 1 : i32
    %scan3A_14 = scf.for %scan3A_105 = %scan3A_10 to %scan3A_12 step %scan3A_13 iter_args(%scan3A_106 = %scan3A) -> (i32)  : i32 {
      %swap3A = arith.index_cast %scan3A_105 : i32 to index
      %swap3A_107 = arith.constant 0 : index
      %swap3A_108 = tpu.vector_load %arg7[%swap3A, %swap3A_107] {strides = array<i32>} : memref<128x128xf32, #tpu.memory_space<vmem>>, vector<16xf32>,
      tpu.vector_store %arg7[%swap3A, %swap3A_107], %broadcast_in_dim3A_3 {strides = array<i32>} : memref<128x128xf32, #tpu.memory_space<vmem>>, vector<16xf32>,
      %swap3A_109 = arith.index_cast %scan3A_105 : i32 to index
      %swap3A_110 = arith.constant 16 : index
      %swap3A_111 = tpu.vector_load %arg7[%swap3A_109, %swap3A_110] {strides = array<i32>} : memref<128x128xf32, #tpu.memory_space<vmem>>, vector<16xf32>,
      tpu.vector_store %arg7[%swap3A_109, %swap3A_110], %broadcast_in_dim3A_3 {strides = array<i32>} : memref<128x128xf32, #tpu.memory_space<vmem>>, vector<16xf32>,
      %swap3A_112 = arith.index_cast %scan3A_105 : i32 to index
      %swap3A_113 = arith.constant 32 : index
      %swap3A_114 = tpu.vector_load %arg7[%swap3A_112, %swap3A_113] {strides = array<i32>} : memref<128x128xf32, #tpu.memory_space<vmem>>, vector<16xf32>,
      tpu.vector_store %arg7[%swap3A_112, %swap3A_113], %broadcast_in_dim3A_3 {strides = array<i32>} : memref<128x128xf32, #tpu.memory_space<vmem>>, vector<16xf32>,
      %swap3A_115 = arith.index_cast %scan3A_105 : i32 to index
      %swap3A_116 = arith.constant 48 : index
      %swap3A_117 = tpu.vector_load %arg7[%swap3A_115, %swap3A_116] {strides = array<i32>} : memref<128x128xf32, #tpu.memory_space<vmem>>, vector<16xf32>,
      tpu.vector_store %arg7[%swap3A_115, %swap3A_116], %broadcast_in_dim3A_3 {strides = array<i32>} : memref<128x128xf32, #tpu.memory_space<vmem>>, vector<16xf32>,
      %swap3A_118 = arith.index_cast %scan3A_105 : i32 to index
      %swap3A_119 = arith.constant 64 : index
      %swap3A_120 = tpu.vector_load %arg7[%swap3A_118, %swap3A_119] {strides = array<i32>} : memref<128x128xf32, #tpu.memory_space<vmem>>, vector<16xf32>,
      tpu.vector_store %arg7[%swap3A_118, %swap3A_119], %broadcast_in_dim3A_3 {strides = array<i32>} : memref<128x128xf32, #tpu.memory_space<vmem>>, vector<16xf32>,
      %swap3A_121 = arith.index_cast %scan3A_105 : i32 to index
      %swap3A_122 = arith.constant 80 : index
      %swap3A_123 = tpu.vector_load %arg7[%swap3A_121, %swap3A_122] {strides = array<i32>} : memref<128x128xf32, #tpu.memory_space<vmem>>, vector<16xf32>,
      tpu.vector_store %arg7[%swap3A_121, %swap3A_122], %broadcast_in_dim3A_3 {strides = array<i32>} : memref<128x128xf32, #tpu.memory_space<vmem>>, vector<16xf32>,
      %swap3A_124 = arith.index_cast %scan3A_105 : i32 to index
      %swap3A_125 = arith.constant 96 : index
      %swap3A_126 = tpu.vector_load %arg7[%swap3A_124, %swap3A_125] {strides = array<i32>} : memref<128x128xf32, #tpu.memory_space<vmem>>, vector<16xf32>,
      tpu.vector_store %arg7[%swap3A_124, %swap3A_125], %broadcast_in_dim3A_3 {strides = array<i32>} : memref<128x128xf32, #tpu.memory_space<vmem>>, vector<16xf32>,
      %swap3A_127 = arith.index_cast %scan3A_105 : i32 to index
      %swap3A_128 = arith.constant 112 : index
      %swap3A_129 = tpu.vector_load %arg7[%swap3A_127, %swap3A_128] {strides = array<i32>} : memref<128x128xf32, #tpu.memory_space<vmem>>, vector<16xf32>,
      tpu.vector_store %arg7[%swap3A_127, %swap3A_128], %broadcast_in_dim3A_3 {strides = array<i32>} : memref<128x128xf32, #tpu.memory_space<vmem>>, vector<16xf32>,
      %scan3A_130 = arith.constant 0 : i32
      scf.yield %scan3A_130 : i32
    }
    %scan3A_15 = arith.constant 128 : i32
    %mul3A_16 = arith.constant 632 : i32
    %mul3A_17 = arith.muli %arg1, %mul3A_16 : i32
    %scan3A_18 = arith.constant 0 : i32
    %scan3A_19 = arith.constant 0 : i32
    %scan3A_20 = arith.constant 4 : i32
    %scan3A_21 = arith.addi %scan3A_19, %scan3A_20 : i32
    %scan3A_22 = arith.constant 1 : i32
    %scan3A_23 = scf.for %scan3A_105 = %scan3A_19 to %scan3A_21 step %scan3A_22 iter_args(%scan3A_106 = %scan3A_18) -> (i32)  : i32 {
      %mul3A_107 = arith.constant 128 : i32
      %mul3A_108 = arith.muli %scan3A_105, %mul3A_107 : i32
      %add3A_109 = arith.addi %mul3A_17, %mul3A_108 : i32
      %dma_start3A_110 = arith.constant 0 : i32
      %dma_start3A_111 = tpu.memref_slice %arg9[%add3A_109, %dma_start3A_110] : memref<10112x128xf32, #tpu.memory_space<vmem_shared>> -> memref<128x128xf32, #tpu.memory_space<vmem_shared>>
      %dma_start3A_112 = arith.constant 0 : i32
      %dma_start3A_113 = tpu.memref_slice %arg9[%add3A_109, %dma_start3A_112] : memref<10112x128xf32, #tpu.memory_space<vmem_shared>> -> memref<128x128xf32, #tpu.memory_space<vmem_shared>>
      tpu.enqueue_dma source(%arg7 : memref<128x128xf32, #tpu.memory_space<vmem>>) target(%dma_start3A_113 : memref<128x128xf32, #tpu.memory_space<vmem_shared>>) target_semaphore(%arg10 : memref<!tpu.dma_semaphore, #tpu.memory_space<semaphore_mem>>)
      %scan3A_114 = arith.constant 0 : i32
      scf.yield %scan3A_114 : i32
    }
    %scan3A_24 = arith.constant 4 : i32
    %add3A_25 = arith.constant 512 : i32
    %add3A_26 = arith.addi %mul3A_17, %add3A_25 : i32
    %dma_start3A = arith.constant 0 : i32
    %dma_start3A_27 = arith.constant 0 : i32
    %dma_start3A_28 = tpu.memref_slice %arg7[%dma_start3A, %dma_start3A_27] : memref<128x128xf32, #tpu.memory_space<vmem>> -> memref<120x128xf32, #tpu.memory_space<vmem>>
    %dma_start3A_29 = arith.constant 0 : i32
    %dma_start3A_30 = tpu.memref_slice %arg9[%add3A_26, %dma_start3A_29] : memref<10112x128xf32, #tpu.memory_space<vmem_shared>> -> memref<120x128xf32, #tpu.memory_space<vmem_shared>>
    %dma_start3A_31 = arith.constant 0 : i32
    %dma_start3A_32 = tpu.memref_slice %arg9[%add3A_26, %dma_start3A_31] : memref<10112x128xf32, #tpu.memory_space<vmem_shared>> -> memref<120x128xf32, #tpu.memory_space<vmem_shared>>
    %dma_start3A_33 = arith.constant 0 : i32
    %dma_start3A_34 = arith.constant 0 : i32
    %dma_start3A_35 = tpu.memref_slice %arg7[%dma_start3A_33, %dma_start3A_34] : memref<128x128xf32, #tpu.memory_space<vmem>> -> memref<120x128xf32, #tpu.memory_space<vmem>>
    tpu.enqueue_dma source(%dma_start3A_35 : memref<120x128xf32, #tpu.memory_space<vmem>>) target(%dma_start3A_32 : memref<120x128xf32, #tpu.memory_space<vmem_shared>>) target_semaphore(%arg10 : memref<!tpu.dma_semaphore, #tpu.memory_space<semaphore_mem>>)
    %scan3A_36 = arith.constant 0 : i32
    %scan3A_37 = arith.constant 0 : i32
    %scan3A_38 = arith.constant 4 : i32
    %scan3A_39 = arith.addi %scan3A_37, %scan3A_38 : i32
    %scan3A_40 = arith.constant 1 : i32
    %scan3A_41 = scf.for %scan3A_105 = %scan3A_37 to %scan3A_39 step %scan3A_40 iter_args(%scan3A_106 = %scan3A_36) -> (i32)  : i32 {
      %mul3A_107 = arith.constant 128 : i32
      %mul3A_108 = arith.muli %scan3A_105, %mul3A_107 : i32
      %add3A_109 = arith.addi %mul3A_17, %mul3A_108 : i32
      %dma_wait3A_110 = arith.constant 0 : i32
      %dma_wait3A_111 = tpu.memref_slice %arg9[%add3A_109, %dma_wait3A_110] : memref<10112x128xf32, #tpu.memory_space<vmem_shared>> -> memref<128x128xf32, #tpu.memory_space<vmem_shared>>
      %dma_wait3A_112 = arith.constant 0 : i32
      %dma_wait3A_113 = tpu.memref_slice %arg9[%add3A_109, %dma_wait3A_112] : memref<10112x128xf32, #tpu.memory_space<vmem_shared>> -> memref<128x128xf32, #tpu.memory_space<vmem_shared>>
      tpu.wait_dma2 semaphore(%arg10 : memref<!tpu.dma_semaphore, #tpu.memory_space<semaphore_mem>>) src(%arg7 : memref<128x128xf32, #tpu.memory_space<vmem>>) dst(%dma_wait3A_113 : memref<128x128xf32, #tpu.memory_space<vmem_shared>>)
      %scan3A_114 = arith.constant 0 : i32
      scf.yield %scan3A_114 : i32
    }
    %scan3A_42 = arith.constant 4 : i32
    %add3A_43 = arith.constant 512 : i32
    %add3A_44 = arith.addi %mul3A_17, %add3A_43 : i32
    %dma_wait3A = arith.constant 0 : i32
    %dma_wait3A_45 = arith.constant 0 : i32
    %dma_wait3A_46 = tpu.memref_slice %arg7[%dma_wait3A, %dma_wait3A_45] : memref<128x128xf32, #tpu.memory_space<vmem>> -> memref<120x128xf32, #tpu.memory_space<vmem>>
    %dma_wait3A_47 = arith.constant 0 : i32
    %dma_wait3A_48 = tpu.memref_slice %arg9[%add3A_44, %dma_wait3A_47] : memref<10112x128xf32, #tpu.memory_space<vmem_shared>> -> memref<120x128xf32, #tpu.memory_space<vmem_shared>>
    %dma_wait3A_49 = arith.constant 0 : i32
    %dma_wait3A_50 = tpu.memref_slice %arg9[%add3A_44, %dma_wait3A_49] : memref<10112x128xf32, #tpu.memory_space<vmem_shared>> -> memref<120x128xf32, #tpu.memory_space<vmem_shared>>
    %dma_wait3A_51 = arith.constant 0 : i32
    %dma_wait3A_52 = arith.constant 0 : i32
    %dma_wait3A_53 = tpu.memref_slice %arg7[%dma_wait3A_51, %dma_wait3A_52] : memref<128x128xf32, #tpu.memory_space<vmem>> -> memref<120x128xf32, #tpu.memory_space<vmem>>
    tpu.wait_dma2 semaphore(%arg10 : memref<!tpu.dma_semaphore, #tpu.memory_space<semaphore_mem>>) src(%dma_wait3A_53 : memref<120x128xf32, #tpu.memory_space<vmem>>) dst(%dma_wait3A_50 : memref<120x128xf32, #tpu.memory_space<vmem_shared>>)
    %barrier3A = arith.constant 0 : index
    tpu.barrier barrier_id(%barrier3A)
    %lt3A_54 = arith.constant 31 : i32
    %lt3A_55 = arith.cmpi slt, %add3A, %lt3A_54 : i32
    %convert_element_type3A_56 = arith.extui %lt3A_55 : i1 to i32
    %cond3A_57 = arith.constant 0 : i32
    %cond3A_58 = arith.cmpi ne, %convert_element_type3A_56, %cond3A_57 : i32
    scf.if %cond3A_58 {
      %dma_wait3A_105 = arith.constant 0 : i32
      %dma_wait3A_106 = tpu.memref_slice %arg2[%dma_wait3A_105, %mul3A_2] : memref<2x320000xi32, #tpu.memory_space<hbm>> -> memref<1x10240xi32, #tpu.memory_space<hbm>>
      %dma_wait3A_107 = tpu.memref_squeeze %dma_wait3A_106 : memref<1x10240xi32, #tpu.memory_space<hbm>> -> memref<10240xi32, #tpu.memory_space<hbm>>
      %dma_wait3A_108 = tpu.memref_slice %arg2[%dma_wait3A_105, %mul3A_2] : memref<2x320000xi32, #tpu.memory_space<hbm>> -> memref<1x10240xi32, #tpu.memory_space<hbm>>
      %dma_wait3A_109 = tpu.memref_squeeze %dma_wait3A_108 : memref<1x10240xi32, #tpu.memory_space<hbm>> -> memref<10240xi32, #tpu.memory_space<hbm>>
      tpu.wait_dma2 semaphore(%arg11 : memref<!tpu.dma_semaphore, #tpu.memory_space<semaphore_mem>>) src(%dma_wait3A_109 : memref<10240xi32, #tpu.memory_space<hbm>>) dst(%arg5 : memref<10240xi32, #tpu.memory_space<vmem>>)
    } else {
    }
    %eq3A_59 = arith.constant 31 : i32
    %eq3A_60 = arith.cmpi eq, %add3A, %eq3A_59 : i32
    %convert_element_type3A_61 = arith.extui %eq3A_60 : i1 to i32
    %cond3A_62 = arith.constant 0 : i32
    %cond3A_63 = arith.cmpi ne, %convert_element_type3A_61, %cond3A_62 : i32
    scf.if %cond3A_63 {
      %dma_wait3A_105 = arith.constant 0 : i32
      %dma_wait3A_106 = arith.constant 0 : i32
      %dma_wait3A_107 = tpu.memref_slice %arg5[%dma_wait3A_106] : memref<10240xi32, #tpu.memory_space<vmem>> -> memref<2560xi32, #tpu.memory_space<vmem>>
      %dma_wait3A_108 = arith.constant 317440 : i32
      %dma_wait3A_109 = tpu.memref_slice %arg2[%dma_wait3A_105, %dma_wait3A_108] : memref<2x320000xi32, #tpu.memory_space<hbm>> -> memref<1x2560xi32, #tpu.memory_space<hbm>>
      %dma_wait3A_110 = tpu.memref_squeeze %dma_wait3A_109 : memref<1x2560xi32, #tpu.memory_space<hbm>> -> memref<2560xi32, #tpu.memory_space<hbm>>
      %dma_wait3A_111 = arith.constant 0 : i32
      %dma_wait3A_112 = tpu.memref_slice %arg5[%dma_wait3A_111] : memref<10240xi32, #tpu.memory_space<vmem>> -> memref<2560xi32, #tpu.memory_space<vmem>>
      %dma_wait3A_113 = arith.constant 317440 : i32
      %dma_wait3A_114 = tpu.memref_slice %arg2[%dma_wait3A_105, %dma_wait3A_113] : memref<2x320000xi32, #tpu.memory_space<hbm>> -> memref<1x2560xi32, #tpu.memory_space<hbm>>
      %dma_wait3A_115 = tpu.memref_squeeze %dma_wait3A_114 : memref<1x2560xi32, #tpu.memory_space<hbm>> -> memref<2560xi32, #tpu.memory_space<hbm>>
      tpu.wait_dma2 semaphore(%arg11 : memref<!tpu.dma_semaphore, #tpu.memory_space<semaphore_mem>>) src(%dma_wait3A_115 : memref<2560xi32, #tpu.memory_space<hbm>>) dst(%dma_wait3A_112 : memref<2560xi32, #tpu.memory_space<vmem>>)
    } else {
    }
    %lt3A_64 = arith.constant 31 : i32
    %lt3A_65 = arith.cmpi slt, %add3A, %lt3A_64 : i32
    %eq3A_66 = arith.constant 31 : i32
    %eq3A_67 = arith.cmpi eq, %add3A, %eq3A_66 : i32
    %jit3A = arith.constant 2560 : i32
    %jit3A_68 = arith.constant 0 : i32
    %select_n3A = arith.select %eq3A_67, %jit3A, %jit3A_68 : i32
    %jit3A_69 = arith.constant 10240 : i32
    %select_n3A_70 = arith.select %lt3A_65, %jit3A_69, %select_n3A : i32
    %jit3A_71 = arith.constant 256 : i32
    %div3A = arith.divsi %select_n3A_70, %jit3A_71 : i32
    %sign3A = arith.constant 0 : i32
    %sign3A_72 = arith.cmpi sgt, %select_n3A_70, %sign3A : i32
    %sign3A_73 = arith.extui %sign3A_72 : i1 to i32
    %sign3A_74 = arith.constant 0 : i32
    %sign3A_75 = arith.cmpi slt, %select_n3A_70, %sign3A_74 : i32
    %sign3A_76 = arith.extui %sign3A_75 : i1 to i32
    %sign3A_77 = arith.subi %sign3A_73, %sign3A_76 : i32
    %sign3A_78 = arith.constant 0 : i32
    %sign3A_79 = arith.cmpi sgt, %jit3A_71, %sign3A_78 : i32
    %sign3A_80 = arith.extui %sign3A_79 : i1 to i32
    %sign3A_81 = arith.constant 0 : i32
    %sign3A_82 = arith.cmpi slt, %jit3A_71, %sign3A_81 : i32
    %sign3A_83 = arith.extui %sign3A_82 : i1 to i32
    %sign3A_84 = arith.subi %sign3A_80, %sign3A_83 : i32
    %ne3A = arith.cmpi ne, %sign3A_77, %sign3A_84 : i32
    %rem3A = arith.remsi %select_n3A_70, %jit3A_71 : i32
    %ne3A_85 = arith.constant 0 : i32
    %ne3A_86 = arith.cmpi ne, %rem3A, %ne3A_85 : i32
    %and3A = arith.andi %ne3A, %ne3A_86 : i1
    %sub3A = arith.constant 1 : i32
    %sub3A_87 = arith.subi %div3A, %sub3A : i32
    %select_n3A_88 = arith.select %and3A, %sub3A_87, %div3A : i32
    %gt3A = arith.constant 0 : i32
    %gt3A_89 = arith.cmpi sgt, %select_n3A_88, %gt3A : i32
    %convert_element_type3A_90 = arith.extui %gt3A_89 : i1 to i32
    %cond3A_91 = arith.constant 0 : i32
    %cond3A_92 = arith.cmpi ne, %convert_element_type3A_90, %cond3A_91 : i32
    scf.if %cond3A_92 {
      %dma_start3A_105 = arith.constant 0 : i32
      %dma_start3A_106 = tpu.memref_slice %arg5[%dma_start3A_105] : memref<10240xi32, #tpu.memory_space<vmem>> -> memref<128xi32, #tpu.memory_space<vmem>>
      %dma_start3A_107 = arith.constant 0 : i32
      %dma_start3A_108 = arith.constant 0 : i32
      %dma_start3A_109 = tpu.memref_slice %arg3[%dma_start3A_107, %dma_start3A_108] : memref<10000x128xf32, #tpu.memory_space<hbm>> -> memref<10000x128xf32, #tpu.memory_space<hbm>>
      tpu.enqueue_indirect_dma source(%dma_start3A_109 : memref<10000x128xf32, #tpu.memory_space<hbm>>) target(%arg7 : memref<128x128xf32, #tpu.memory_space<vmem>>) offsets(%dma_start3A_106 : memref<128xi32, #tpu.memory_space<vmem>>) semaphore(%arg10 : memref<!tpu.dma_semaphore, #tpu.memory_space<semaphore_mem>>)
      %add3A_110 = arith.constant 0 : i32
      %add3A_111 = arith.addi %mul3A_2, %add3A_110 : i32
      %dma_start3A_112 = arith.constant 1 : i32
      %dma_start3A_113 = arith.constant 0 : i32
      %dma_start3A_114 = arith.constant 0 : i32
      %dma_start3A_115 = tpu.memref_slice %arg6[%dma_start3A_113, %dma_start3A_114] : memref<2x128xi32, #tpu.memory_space<vmem>> -> memref<1x128xi32, #tpu.memory_space<vmem>>
      %dma_start3A_116 = tpu.memref_squeeze %dma_start3A_115 : memref<1x128xi32, #tpu.memory_space<vmem>> -> memref<128xi32, #tpu.memory_space<vmem>>
      %dma_start3A_117 = tpu.memref_slice %arg2[%dma_start3A_112, %add3A_111] : memref<2x320000xi32, #tpu.memory_space<hbm>> -> memref<1x128xi32, #tpu.memory_space<hbm>>
      %dma_start3A_118 = tpu.memref_squeeze %dma_start3A_117 : memref<1x128xi32, #tpu.memory_space<hbm>> -> memref<128xi32, #tpu.memory_space<hbm>>
      %dma_start3A_119 = arith.constant 0 : i32
      %dma_start3A_120 = tpu.memref_slice %arg6[%dma_start3A_113, %dma_start3A_119] : memref<2x128xi32, #tpu.memory_space<vmem>> -> memref<1x128xi32, #tpu.memory_space<vmem>>
      %dma_start3A_121 = tpu.memref_squeeze %dma_start3A_120 : memref<1x128xi32, #tpu.memory_space<vmem>> -> memref<128xi32, #tpu.memory_space<vmem>>
      %dma_start3A_122 = tpu.memref_slice %arg2[%dma_start3A_112, %add3A_111] : memref<2x320000xi32, #tpu.memory_space<hbm>> -> memref<1x128xi32, #tpu.memory_space<hbm>>
      %dma_start3A_123 = tpu.memref_squeeze %dma_start3A_122 : memref<1x128xi32, #tpu.memory_space<hbm>> -> memref<128xi32, #tpu.memory_space<hbm>>
      tpu.enqueue_dma source(%dma_start3A_123 : memref<128xi32, #tpu.memory_space<hbm>>) target(%dma_start3A_121 : memref<128xi32, #tpu.memory_space<vmem>>) target_semaphore(%arg12 : memref<!tpu.dma_semaphore, #tpu.memory_space<semaphore_mem>>)
    } else {
    }
    %while3A = arith.constant 0 : i32
    %while3A_93 = arith.constant 0 : i32
    %while3A_94 = arith.subi %select_n3A_88, %while3A : i32
    %while3A_95 = arith.addi %while3A, %while3A_94 : i32
    %while3A_96 = arith.constant 1 : i32
    %while3A_97 = arith.divsi %while3A_94, %while3A_96 : i32
    %while3A_98 = arith.muli %while3A_97, %while3A_96 : i32
    %while3A_99 = arith.addi %while3A, %while3A_98 : i32
    %while3A_100 = arith.constant 1 : i32
    %while3A_101 = scf.for %while3A_105 = %while3A to %while3A_99 step %while3A_100 iter_args(%while3A_106 = %while3A_93) -> (i32)  : i32 {
      %mul3A_107 = arith.constant 2 : i32
      %mul3A_108 = arith.muli %mul3A_107, %while3A_105 : i32
      %add3A_109 = arith.constant 1 : i32
      %add3A_110 = arith.addi %mul3A_108, %add3A_109 : i32
      %mul3A_111 = arith.constant 128 : i32
      %mul3A_112 = arith.muli %add3A_110, %mul3A_111 : i32
      %dma_start3A_113 = tpu.memref_slice %arg5[%mul3A_112] : memref<10240xi32, #tpu.memory_space<vmem>> -> memref<128xi32, #tpu.memory_space<vmem>>
      %dma_start3A_114 = arith.constant 0 : i32
      %dma_start3A_115 = arith.constant 0 : i32
      %dma_start3A_116 = tpu.memref_slice %arg3[%dma_start3A_114, %dma_start3A_115] : memref<10000x128xf32, #tpu.memory_space<hbm>> -> memref<10000x128xf32, #tpu.memory_space<hbm>>
      tpu.enqueue_indirect_dma source(%dma_start3A_116 : memref<10000x128xf32, #tpu.memory_space<hbm>>) target(%arg8 : memref<128x128xf32, #tpu.memory_space<vmem>>) offsets(%dma_start3A_113 : memref<128xi32, #tpu.memory_space<vmem>>) semaphore(%arg11 : memref<!tpu.dma_semaphore, #tpu.memory_space<semaphore_mem>>)
      %add3A_117 = arith.constant 1 : i32
      %add3A_118 = arith.addi %mul3A_108, %add3A_117 : i32
      %mul3A_119 = arith.constant 128 : i32
      %mul3A_120 = arith.muli %add3A_118, %mul3A_119 : i32
      %add3A_121 = arith.addi %mul3A_2, %mul3A_120 : i32
      %dma_start3A_122 = arith.constant 1 : i32
      %dma_start3A_123 = arith.constant 1 : i32
      %dma_start3A_124 = arith.constant 0 : i32
      %dma_start3A_125 = tpu.memref_slice %arg6[%dma_start3A_123, %dma_start3A_124] : memref<2x128xi32, #tpu.memory_space<vmem>> -> memref<1x128xi32, #tpu.memory_space<vmem>>
      %dma_start3A_126 = tpu.memref_squeeze %dma_start3A_125 : memref<1x128xi32, #tpu.memory_space<vmem>> -> memref<128xi32, #tpu.memory_space<vmem>>
      %dma_start3A_127 = tpu.memref_slice %arg2[%dma_start3A_122, %add3A_121] : memref<2x320000xi32, #tpu.memory_space<hbm>> -> memref<1x128xi32, #tpu.memory_space<hbm>>
      %dma_start3A_128 = tpu.memref_squeeze %dma_start3A_127 : memref<1x128xi32, #tpu.memory_space<hbm>> -> memref<128xi32, #tpu.memory_space<hbm>>
      %dma_start3A_129 = arith.constant 0 : i32
      %dma_start3A_130 = tpu.memref_slice %arg6[%dma_start3A_123, %dma_start3A_129] : memref<2x128xi32, #tpu.memory_space<vmem>> -> memref<1x128xi32, #tpu.memory_space<vmem>>
      %dma_start3A_131 = tpu.memref_squeeze %dma_start3A_130 : memref<1x128xi32, #tpu.memory_space<vmem>> -> memref<128xi32, #tpu.memory_space<vmem>>
      %dma_start3A_132 = tpu.memref_slice %arg2[%dma_start3A_122, %add3A_121] : memref<2x320000xi32, #tpu.memory_space<hbm>> -> memref<1x128xi32, #tpu.memory_space<hbm>>
      %dma_start3A_133 = tpu.memref_squeeze %dma_start3A_132 : memref<1x128xi32, #tpu.memory_space<hbm>> -> memref<128xi32, #tpu.memory_space<hbm>>
      tpu.enqueue_dma source(%dma_start3A_133 : memref<128xi32, #tpu.memory_space<hbm>>) target(%dma_start3A_131 : memref<128xi32, #tpu.memory_space<vmem>>) target_semaphore(%arg13 : memref<!tpu.dma_semaphore, #tpu.memory_space<semaphore_mem>>)
      %mul3A_134 = arith.constant 128 : i32
      %mul3A_135 = arith.muli %mul3A_108, %mul3A_134 : i32
      %dma_wait3A_136 = tpu.memref_slice %arg5[%mul3A_135] : memref<10240xi32, #tpu.memory_space<vmem>> -> memref<128xi32, #tpu.memory_space<vmem>>
      %dma_wait3A_137 = arith.constant 0 : i32
      %dma_wait3A_138 = arith.constant 0 : i32
      %dma_wait3A_139 = tpu.memref_slice %arg3[%dma_wait3A_137, %dma_wait3A_138] : memref<10000x128xf32, #tpu.memory_space<hbm>> -> memref<10000x128xf32, #tpu.memory_space<hbm>>
      tpu.wait_indirect_dma semaphore(%arg10 : memref<!tpu.dma_semaphore, #tpu.memory_space<semaphore_mem>>) src(%dma_wait3A_139 : memref<10000x128xf32, #tpu.memory_space<hbm>>) dst(%arg7 : memref<128x128xf32, #tpu.memory_space<vmem>>)
      %mul3A_140 = arith.constant 128 : i32
      %mul3A_141 = arith.muli %mul3A_108, %mul3A_140 : i32
      %add3A_142 = arith.addi %mul3A_2, %mul3A_141 : i32
      %dma_wait3A_143 = arith.constant 1 : i32
      %dma_wait3A_144 = arith.constant 0 : i32
      %dma_wait3A_145 = arith.constant 0 : i32
      %dma_wait3A_146 = tpu.memref_slice %arg6[%dma_wait3A_144, %dma_wait3A_145] : memref<2x128xi32, #tpu.memory_space<vmem>> -> memref<1x128xi32, #tpu.memory_space<vmem>>
      %dma_wait3A_147 = tpu.memref_squeeze %dma_wait3A_146 : memref<1x128xi32, #tpu.memory_space<vmem>> -> memref<128xi32, #tpu.memory_space<vmem>>
      %dma_wait3A_148 = tpu.memref_slice %arg2[%dma_wait3A_143, %add3A_142] : memref<2x320000xi32, #tpu.memory_space<hbm>> -> memref<1x128xi32, #tpu.memory_space<hbm>>
      %dma_wait3A_149 = tpu.memref_squeeze %dma_wait3A_148 : memref<1x128xi32, #tpu.memory_space<hbm>> -> memref<128xi32, #tpu.memory_space<hbm>>
      %dma_wait3A_150 = arith.constant 0 : i32
      %dma_wait3A_151 = tpu.memref_slice %arg6[%dma_wait3A_144, %dma_wait3A_150] : memref<2x128xi32, #tpu.memory_space<vmem>> -> memref<1x128xi32, #tpu.memory_space<vmem>>
      %dma_wait3A_152 = tpu.memref_squeeze %dma_wait3A_151 : memref<1x128xi32, #tpu.memory_space<vmem>> -> memref<128xi32, #tpu.memory_space<vmem>>
      %dma_wait3A_153 = tpu.memref_slice %arg2[%dma_wait3A_143, %add3A_142] : memref<2x320000xi32, #tpu.memory_space<hbm>> -> memref<1x128xi32, #tpu.memory_space<hbm>>
      %dma_wait3A_154 = tpu.memref_squeeze %dma_wait3A_153 : memref<1x128xi32, #tpu.memory_space<hbm>> -> memref<128xi32, #tpu.memory_space<hbm>>
      tpu.wait_dma2 semaphore(%arg12 : memref<!tpu.dma_semaphore, #tpu.memory_space<semaphore_mem>>) src(%dma_wait3A_154 : memref<128xi32, #tpu.memory_space<hbm>>) dst(%dma_wait3A_152 : memref<128xi32, #tpu.memory_space<vmem>>)
      %run_scoped3A = arith.constant 0 : i32
      "tpu.region"() ({
        %run_scoped3A_188 = tpu.sem_alloc : memref<!tpu.dma_semaphore, #tpu.memory_space<semaphore_mem>>
        %dma_start3A_189 = arith.constant 0 : i32
        %dma_start3A_190 = tpu.memref_slice %arg6[%run_scoped3A, %dma_start3A_189] : memref<2x128xi32, #tpu.memory_space<vmem>> -> memref<1x128xi32, #tpu.memory_space<vmem>>
        %dma_start3A_191 = tpu.memref_squeeze %dma_start3A_190 : memref<1x128xi32, #tpu.memory_space<vmem>> -> memref<128xi32, #tpu.memory_space<vmem>>
        %dma_start3A_192 = arith.constant 0 : i32
        %dma_start3A_193 = arith.constant 0 : i32
        %dma_start3A_194 = tpu.memref_slice %arg9[%dma_start3A_192, %dma_start3A_193] : memref<10112x128xf32, #tpu.memory_space<vmem_shared>> -> memref<10112x128xf32, #tpu.memory_space<vmem_shared>>
        tpu.enqueue_indirect_dma source(%arg7 : memref<128x128xf32, #tpu.memory_space<vmem>>) target(%dma_start3A_194 : memref<10112x128xf32, #tpu.memory_space<vmem_shared>>) offsets(%dma_start3A_191 : memref<128xi32, #tpu.memory_space<vmem>>) semaphore(%run_scoped3A_188 : memref<!tpu.dma_semaphore, #tpu.memory_space<semaphore_mem>>) {add = true}
        %dma_wait3A_195 = arith.constant 0 : i32
        %dma_wait3A_196 = tpu.memref_slice %arg6[%run_scoped3A, %dma_wait3A_195] : memref<2x128xi32, #tpu.memory_space<vmem>> -> memref<1x128xi32, #tpu.memory_space<vmem>>
        %dma_wait3A_197 = tpu.memref_squeeze %dma_wait3A_196 : memref<1x128xi32, #tpu.memory_space<vmem>> -> memref<128xi32, #tpu.memory_space<vmem>>
        %dma_wait3A_198 = arith.constant 0 : i32
        %dma_wait3A_199 = arith.constant 0 : i32
        %dma_wait3A_200 = tpu.memref_slice %arg9[%dma_wait3A_198, %dma_wait3A_199] : memref<10112x128xf32, #tpu.memory_space<vmem_shared>> -> memref<10112x128xf32, #tpu.memory_space<vmem_shared>>
        tpu.wait_indirect_dma semaphore(%run_scoped3A_188 : memref<!tpu.dma_semaphore, #tpu.memory_space<semaphore_mem>>) src(%arg7 : memref<128x128xf32, #tpu.memory_space<vmem>>) dst(%dma_wait3A_200 : memref<10112x128xf32, #tpu.memory_space<vmem_shared>>)
        tpu.yield
      }) : () -> ()
      %add3A_155 = arith.constant 1 : i32
      %add3A_156 = arith.addi %while3A_105, %add3A_155 : i32
      %lt3A_157 = arith.cmpi slt, %add3A_156, %select_n3A_88 : i32
      %convert_element_type3A_158 = arith.extui %lt3A_157 : i1 to i32
      %cond3A_159 = arith.constant 0 : i32
      %cond3A_160 = arith.cmpi ne, %convert_element_type3A_158, %cond3A_159 : i32
      scf.if %cond3A_160 {
        %add3A_188 = arith.constant 2 : i32
        %add3A_189 = arith.addi %mul3A_108, %add3A_188 : i32
        %mul3A_190 = arith.constant 128 : i32
        %mul3A_191 = arith.muli %add3A_189, %mul3A_190 : i32
        %dma_start3A_192 = tpu.memref_slice %arg5[%mul3A_191] : memref<10240xi32, #tpu.memory_space<vmem>> -> memref<128xi32, #tpu.memory_space<vmem>>
        %dma_start3A_193 = arith.constant 0 : i32
        %dma_start3A_194 = arith.constant 0 : i32
        %dma_start3A_195 = tpu.memref_slice %arg3[%dma_start3A_193, %dma_start3A_194] : memref<10000x128xf32, #tpu.memory_space<hbm>> -> memref<10000x128xf32, #tpu.memory_space<hbm>>
        tpu.enqueue_indirect_dma source(%dma_start3A_195 : memref<10000x128xf32, #tpu.memory_space<hbm>>) target(%arg7 : memref<128x128xf32, #tpu.memory_space<vmem>>) offsets(%dma_start3A_192 : memref<128xi32, #tpu.memory_space<vmem>>) semaphore(%arg10 : memref<!tpu.dma_semaphore, #tpu.memory_space<semaphore_mem>>)
        %add3A_196 = arith.constant 2 : i32
        %add3A_197 = arith.addi %mul3A_108, %add3A_196 : i32
        %mul3A_198 = arith.constant 128 : i32
        %mul3A_199 = arith.muli %add3A_197, %mul3A_198 : i32
        %add3A_200 = arith.addi %mul3A_2, %mul3A_199 : i32
        %dma_start3A_201 = arith.constant 1 : i32
        %dma_start3A_202 = arith.constant 0 : i32
        %dma_start3A_203 = arith.constant 0 : i32
        %dma_start3A_204 = tpu.memref_slice %arg6[%dma_start3A_202, %dma_start3A_203] : memref<2x128xi32, #tpu.memory_space<vmem>> -> memref<1x128xi32, #tpu.memory_space<vmem>>
        %dma_start3A_205 = tpu.memref_squeeze %dma_start3A_204 : memref<1x128xi32, #tpu.memory_space<vmem>> -> memref<128xi32, #tpu.memory_space<vmem>>
        %dma_start3A_206 = tpu.memref_slice %arg2[%dma_start3A_201, %add3A_200] : memref<2x320000xi32, #tpu.memory_space<hbm>> -> memref<1x128xi32, #tpu.memory_space<hbm>>
        %dma_start3A_207 = tpu.memref_squeeze %dma_start3A_206 : memref<1x128xi32, #tpu.memory_space<hbm>> -> memref<128xi32, #tpu.memory_space<hbm>>
        %dma_start3A_208 = arith.constant 0 : i32
        %dma_start3A_209 = tpu.memref_slice %arg6[%dma_start3A_202, %dma_start3A_208] : memref<2x128xi32, #tpu.memory_space<vmem>> -> memref<1x128xi32, #tpu.memory_space<vmem>>
        %dma_start3A_210 = tpu.memref_squeeze %dma_start3A_209 : memref<1x128xi32, #tpu.memory_space<vmem>> -> memref<128xi32, #tpu.memory_space<vmem>>
        %dma_start3A_211 = tpu.memref_slice %arg2[%dma_start3A_201, %add3A_200] : memref<2x320000xi32, #tpu.memory_space<hbm>> -> memref<1x128xi32, #tpu.memory_space<hbm>>
        %dma_start3A_212 = tpu.memref_squeeze %dma_start3A_211 : memref<1x128xi32, #tpu.memory_space<hbm>> -> memref<128xi32, #tpu.memory_space<hbm>>
        tpu.enqueue_dma source(%dma_start3A_212 : memref<128xi32, #tpu.memory_space<hbm>>) target(%dma_start3A_210 : memref<128xi32, #tpu.memory_space<vmem>>) target_semaphore(%arg12 : memref<!tpu.dma_semaphore, #tpu.memory_space<semaphore_mem>>)
      } else {
      }
      %add3A_161 = arith.constant 1 : i32
      %add3A_162 = arith.addi %mul3A_108, %add3A_161 : i32
      %mul3A_163 = arith.constant 128 : i32
      %mul3A_164 = arith.muli %add3A_162, %mul3A_163 : i32
      %dma_wait3A_165 = tpu.memref_slice %arg5[%mul3A_164] : memref<10240xi32, #tpu.memory_space<vmem>> -> memref<128xi32, #tpu.memory_space<vmem>>
      %dma_wait3A_166 = arith.constant 0 : i32
      %dma_wait3A_167 = arith.constant 0 : i32
      %dma_wait3A_168 = tpu.memref_slice %arg3[%dma_wait3A_166, %dma_wait3A_167] : memref<10000x128xf32, #tpu.memory_space<hbm>> -> memref<10000x128xf32, #tpu.memory_space<hbm>>
      tpu.wait_indirect_dma semaphore(%arg11 : memref<!tpu.dma_semaphore, #tpu.memory_space<semaphore_mem>>) src(%dma_wait3A_168 : memref<10000x128xf32, #tpu.memory_space<hbm>>) dst(%arg8 : memref<128x128xf32, #tpu.memory_space<vmem>>)
      %add3A_169 = arith.constant 1 : i32
      %add3A_170 = arith.addi %mul3A_108, %add3A_169 : i32
      %mul3A_171 = arith.constant 128 : i32
      %mul3A_172 = arith.muli %add3A_170, %mul3A_171 : i32
      %add3A_173 = arith.addi %mul3A_2, %mul3A_172 : i32
      %dma_wait3A_174 = arith.constant 1 : i32
      %dma_wait3A_175 = arith.constant 1 : i32
      %dma_wait3A_176 = arith.constant 0 : i32
      %dma_wait3A_177 = tpu.memref_slice %arg6[%dma_wait3A_175, %dma_wait3A_176] : memref<2x128xi32, #tpu.memory_space<vmem>> -> memref<1x128xi32, #tpu.memory_space<vmem>>
      %dma_wait3A_178 = tpu.memref_squeeze %dma_wait3A_177 : memref<1x128xi32, #tpu.memory_space<vmem>> -> memref<128xi32, #tpu.memory_space<vmem>>
      %dma_wait3A_179 = tpu.memref_slice %arg2[%dma_wait3A_174, %add3A_173] : memref<2x320000xi32, #tpu.memory_space<hbm>> -> memref<1x128xi32, #tpu.memory_space<hbm>>
      %dma_wait3A_180 = tpu.memref_squeeze %dma_wait3A_179 : memref<1x128xi32, #tpu.memory_space<hbm>> -> memref<128xi32, #tpu.memory_space<hbm>>
      %dma_wait3A_181 = arith.constant 0 : i32
      %dma_wait3A_182 = tpu.memref_slice %arg6[%dma_wait3A_175, %dma_wait3A_181] : memref<2x128xi32, #tpu.memory_space<vmem>> -> memref<1x128xi32, #tpu.memory_space<vmem>>
      %dma_wait3A_183 = tpu.memref_squeeze %dma_wait3A_182 : memref<1x128xi32, #tpu.memory_space<vmem>> -> memref<128xi32, #tpu.memory_space<vmem>>
      %dma_wait3A_184 = tpu.memref_slice %arg2[%dma_wait3A_174, %add3A_173] : memref<2x320000xi32, #tpu.memory_space<hbm>> -> memref<1x128xi32, #tpu.memory_space<hbm>>
      %dma_wait3A_185 = tpu.memref_squeeze %dma_wait3A_184 : memref<1x128xi32, #tpu.memory_space<hbm>> -> memref<128xi32, #tpu.memory_space<hbm>>
      tpu.wait_dma2 semaphore(%arg13 : memref<!tpu.dma_semaphore, #tpu.memory_space<semaphore_mem>>) src(%dma_wait3A_185 : memref<128xi32, #tpu.memory_space<hbm>>) dst(%dma_wait3A_183 : memref<128xi32, #tpu.memory_space<vmem>>)
      %run_scoped3A_186 = arith.constant 1 : i32
      "tpu.region"() ({
        %run_scoped3A_188 = tpu.sem_alloc : memref<!tpu.dma_semaphore, #tpu.memory_space<semaphore_mem>>
        %dma_start3A_189 = arith.constant 0 : i32
        %dma_start3A_190 = tpu.memref_slice %arg6[%run_scoped3A_186, %dma_start3A_189] : memref<2x128xi32, #tpu.memory_space<vmem>> -> memref<1x128xi32, #tpu.memory_space<vmem>>
        %dma_start3A_191 = tpu.memref_squeeze %dma_start3A_190 : memref<1x128xi32, #tpu.memory_space<vmem>> -> memref<128xi32, #tpu.memory_space<vmem>>
        %dma_start3A_192 = arith.constant 0 : i32
        %dma_start3A_193 = arith.constant 0 : i32
        %dma_start3A_194 = tpu.memref_slice %arg9[%dma_start3A_192, %dma_start3A_193] : memref<10112x128xf32, #tpu.memory_space<vmem_shared>> -> memref<10112x128xf32, #tpu.memory_space<vmem_shared>>
        tpu.enqueue_indirect_dma source(%arg8 : memref<128x128xf32, #tpu.memory_space<vmem>>) target(%dma_start3A_194 : memref<10112x128xf32, #tpu.memory_space<vmem_shared>>) offsets(%dma_start3A_191 : memref<128xi32, #tpu.memory_space<vmem>>) semaphore(%run_scoped3A_188 : memref<!tpu.dma_semaphore, #tpu.memory_space<semaphore_mem>>) {add = true}
        %dma_wait3A_195 = arith.constant 0 : i32
        %dma_wait3A_196 = tpu.memref_slice %arg6[%run_scoped3A_186, %dma_wait3A_195] : memref<2x128xi32, #tpu.memory_space<vmem>> -> memref<1x128xi32, #tpu.memory_space<vmem>>
        %dma_wait3A_197 = tpu.memref_squeeze %dma_wait3A_196 : memref<1x128xi32, #tpu.memory_space<vmem>> -> memref<128xi32, #tpu.memory_space<vmem>>
        %dma_wait3A_198 = arith.constant 0 : i32
        %dma_wait3A_199 = arith.constant 0 : i32
        %dma_wait3A_200 = tpu.memref_slice %arg9[%dma_wait3A_198, %dma_wait3A_199] : memref<10112x128xf32, #tpu.memory_space<vmem_shared>> -> memref<10112x128xf32, #tpu.memory_space<vmem_shared>>
        tpu.wait_indirect_dma semaphore(%run_scoped3A_188 : memref<!tpu.dma_semaphore, #tpu.memory_space<semaphore_mem>>) src(%arg8 : memref<128x128xf32, #tpu.memory_space<vmem>>) dst(%dma_wait3A_200 : memref<10112x128xf32, #tpu.memory_space<vmem_shared>>)
        tpu.yield
      }) : () -> ()
      %while3A_187 = arith.constant 0 : i32
      scf.yield %while3A_187 : i32
    }
    %while3A_102 = arith.constant 1 : i32
    %while3A_103 = scf.for %while3A_105 = %while3A_99 to %while3A_95 step %while3A_102 iter_args(%while3A_106 = %while3A_101) -> (i32)  : i32 {
      %mul3A_107 = arith.constant 2 : i32
      %mul3A_108 = arith.muli %mul3A_107, %while3A_105 : i32
      %add3A_109 = arith.constant 1 : i32
      %add3A_110 = arith.addi %mul3A_108, %add3A_109 : i32
      %mul3A_111 = arith.constant 128 : i32
      %mul3A_112 = arith.muli %add3A_110, %mul3A_111 : i32
      %dma_start3A_113 = tpu.memref_slice %arg5[%mul3A_112] : memref<10240xi32, #tpu.memory_space<vmem>> -> memref<128xi32, #tpu.memory_space<vmem>>
      %dma_start3A_114 = arith.constant 0 : i32
      %dma_start3A_115 = arith.constant 0 : i32
      %dma_start3A_116 = tpu.memref_slice %arg3[%dma_start3A_114, %dma_start3A_115] : memref<10000x128xf32, #tpu.memory_space<hbm>> -> memref<10000x128xf32, #tpu.memory_space<hbm>>
      tpu.enqueue_indirect_dma source(%dma_start3A_116 : memref<10000x128xf32, #tpu.memory_space<hbm>>) target(%arg8 : memref<128x128xf32, #tpu.memory_space<vmem>>) offsets(%dma_start3A_113 : memref<128xi32, #tpu.memory_space<vmem>>) semaphore(%arg11 : memref<!tpu.dma_semaphore, #tpu.memory_space<semaphore_mem>>)
      %add3A_117 = arith.constant 1 : i32
      %add3A_118 = arith.addi %mul3A_108, %add3A_117 : i32
      %mul3A_119 = arith.constant 128 : i32
      %mul3A_120 = arith.muli %add3A_118, %mul3A_119 : i32
      %add3A_121 = arith.addi %mul3A_2, %mul3A_120 : i32
      %dma_start3A_122 = arith.constant 1 : i32
      %dma_start3A_123 = arith.constant 1 : i32
      %dma_start3A_124 = arith.constant 0 : i32
      %dma_start3A_125 = tpu.memref_slice %arg6[%dma_start3A_123, %dma_start3A_124] : memref<2x128xi32, #tpu.memory_space<vmem>> -> memref<1x128xi32, #tpu.memory_space<vmem>>
      %dma_start3A_126 = tpu.memref_squeeze %dma_start3A_125 : memref<1x128xi32, #tpu.memory_space<vmem>> -> memref<128xi32, #tpu.memory_space<vmem>>
      %dma_start3A_127 = tpu.memref_slice %arg2[%dma_start3A_122, %add3A_121] : memref<2x320000xi32, #tpu.memory_space<hbm>> -> memref<1x128xi32, #tpu.memory_space<hbm>>
      %dma_start3A_128 = tpu.memref_squeeze %dma_start3A_127 : memref<1x128xi32, #tpu.memory_space<hbm>> -> memref<128xi32, #tpu.memory_space<hbm>>
      %dma_start3A_129 = arith.constant 0 : i32
      %dma_start3A_130 = tpu.memref_slice %arg6[%dma_start3A_123, %dma_start3A_129] : memref<2x128xi32, #tpu.memory_space<vmem>> -> memref<1x128xi32, #tpu.memory_space<vmem>>
      %dma_start3A_131 = tpu.memref_squeeze %dma_start3A_130 : memref<1x128xi32, #tpu.memory_space<vmem>> -> memref<128xi32, #tpu.memory_space<vmem>>
      %dma_start3A_132 = tpu.memref_slice %arg2[%dma_start3A_122, %add3A_121] : memref<2x320000xi32, #tpu.memory_space<hbm>> -> memref<1x128xi32, #tpu.memory_space<hbm>>
      %dma_start3A_133 = tpu.memref_squeeze %dma_start3A_132 : memref<1x128xi32, #tpu.memory_space<hbm>> -> memref<128xi32, #tpu.memory_space<hbm>>
      tpu.enqueue_dma source(%dma_start3A_133 : memref<128xi32, #tpu.memory_space<hbm>>) target(%dma_start3A_131 : memref<128xi32, #tpu.memory_space<vmem>>) target_semaphore(%arg13 : memref<!tpu.dma_semaphore, #tpu.memory_space<semaphore_mem>>)
      %mul3A_134 = arith.constant 128 : i32
      %mul3A_135 = arith.muli %mul3A_108, %mul3A_134 : i32
      %dma_wait3A_136 = tpu.memref_slice %arg5[%mul3A_135] : memref<10240xi32, #tpu.memory_space<vmem>> -> memref<128xi32, #tpu.memory_space<vmem>>
      %dma_wait3A_137 = arith.constant 0 : i32
      %dma_wait3A_138 = arith.constant 0 : i32
      %dma_wait3A_139 = tpu.memref_slice %arg3[%dma_wait3A_137, %dma_wait3A_138] : memref<10000x128xf32, #tpu.memory_space<hbm>> -> memref<10000x128xf32, #tpu.memory_space<hbm>>
      tpu.wait_indirect_dma semaphore(%arg10 : memref<!tpu.dma_semaphore, #tpu.memory_space<semaphore_mem>>) src(%dma_wait3A_139 : memref<10000x128xf32, #tpu.memory_space<hbm>>) dst(%arg7 : memref<128x128xf32, #tpu.memory_space<vmem>>)
      %mul3A_140 = arith.constant 128 : i32
      %mul3A_141 = arith.muli %mul3A_108, %mul3A_140 : i32
      %add3A_142 = arith.addi %mul3A_2, %mul3A_141 : i32
      %dma_wait3A_143 = arith.constant 1 : i32
      %dma_wait3A_144 = arith.constant 0 : i32
      %dma_wait3A_145 = arith.constant 0 : i32
      %dma_wait3A_146 = tpu.memref_slice %arg6[%dma_wait3A_144, %dma_wait3A_145] : memref<2x128xi32, #tpu.memory_space<vmem>> -> memref<1x128xi32, #tpu.memory_space<vmem>>
      %dma_wait3A_147 = tpu.memref_squeeze %dma_wait3A_146 : memref<1x128xi32, #tpu.memory_space<vmem>> -> memref<128xi32, #tpu.memory_space<vmem>>
      %dma_wait3A_148 = tpu.memref_slice %arg2[%dma_wait3A_143, %add3A_142] : memref<2x320000xi32, #tpu.memory_space<hbm>> -> memref<1x128xi32, #tpu.memory_space<hbm>>
      %dma_wait3A_149 = tpu.memref_squeeze %dma_wait3A_148 : memref<1x128xi32, #tpu.memory_space<hbm>> -> memref<128xi32, #tpu.memory_space<hbm>>
      %dma_wait3A_150 = arith.constant 0 : i32
      %dma_wait3A_151 = tpu.memref_slice %arg6[%dma_wait3A_144, %dma_wait3A_150] : memref<2x128xi32, #tpu.memory_space<vmem>> -> memref<1x128xi32, #tpu.memory_space<vmem>>
      %dma_wait3A_152 = tpu.memref_squeeze %dma_wait3A_151 : memref<1x128xi32, #tpu.memory_space<vmem>> -> memref<128xi32, #tpu.memory_space<vmem>>
      %dma_wait3A_153 = tpu.memref_slice %arg2[%dma_wait3A_143, %add3A_142] : memref<2x320000xi32, #tpu.memory_space<hbm>> -> memref<1x128xi32, #tpu.memory_space<hbm>>
      %dma_wait3A_154 = tpu.memref_squeeze %dma_wait3A_153 : memref<1x128xi32, #tpu.memory_space<hbm>> -> memref<128xi32, #tpu.memory_space<hbm>>
      tpu.wait_dma2 semaphore(%arg12 : memref<!tpu.dma_semaphore, #tpu.memory_space<semaphore_mem>>) src(%dma_wait3A_154 : memref<128xi32, #tpu.memory_space<hbm>>) dst(%dma_wait3A_152 : memref<128xi32, #tpu.memory_space<vmem>>)
      %run_scoped3A = arith.constant 0 : i32
      "tpu.region"() ({
        %run_scoped3A_188 = tpu.sem_alloc : memref<!tpu.dma_semaphore, #tpu.memory_space<semaphore_mem>>
        %dma_start3A_189 = arith.constant 0 : i32
        %dma_start3A_190 = tpu.memref_slice %arg6[%run_scoped3A, %dma_start3A_189] : memref<2x128xi32, #tpu.memory_space<vmem>> -> memref<1x128xi32, #tpu.memory_space<vmem>>
        %dma_start3A_191 = tpu.memref_squeeze %dma_start3A_190 : memref<1x128xi32, #tpu.memory_space<vmem>> -> memref<128xi32, #tpu.memory_space<vmem>>
        %dma_start3A_192 = arith.constant 0 : i32
        %dma_start3A_193 = arith.constant 0 : i32
        %dma_start3A_194 = tpu.memref_slice %arg9[%dma_start3A_192, %dma_start3A_193] : memref<10112x128xf32, #tpu.memory_space<vmem_shared>> -> memref<10112x128xf32, #tpu.memory_space<vmem_shared>>
        tpu.enqueue_indirect_dma source(%arg7 : memref<128x128xf32, #tpu.memory_space<vmem>>) target(%dma_start3A_194 : memref<10112x128xf32, #tpu.memory_space<vmem_shared>>) offsets(%dma_start3A_191 : memref<128xi32, #tpu.memory_space<vmem>>) semaphore(%run_scoped3A_188 : memref<!tpu.dma_semaphore, #tpu.memory_space<semaphore_mem>>) {add = true}
        %dma_wait3A_195 = arith.constant 0 : i32
        %dma_wait3A_196 = tpu.memref_slice %arg6[%run_scoped3A, %dma_wait3A_195] : memref<2x128xi32, #tpu.memory_space<vmem>> -> memref<1x128xi32, #tpu.memory_space<vmem>>
        %dma_wait3A_197 = tpu.memref_squeeze %dma_wait3A_196 : memref<1x128xi32, #tpu.memory_space<vmem>> -> memref<128xi32, #tpu.memory_space<vmem>>
        %dma_wait3A_198 = arith.constant 0 : i32
        %dma_wait3A_199 = arith.constant 0 : i32
        %dma_wait3A_200 = tpu.memref_slice %arg9[%dma_wait3A_198, %dma_wait3A_199] : memref<10112x128xf32, #tpu.memory_space<vmem_shared>> -> memref<10112x128xf32, #tpu.memory_space<vmem_shared>>
        tpu.wait_indirect_dma semaphore(%run_scoped3A_188 : memref<!tpu.dma_semaphore, #tpu.memory_space<semaphore_mem>>) src(%arg7 : memref<128x128xf32, #tpu.memory_space<vmem>>) dst(%dma_wait3A_200 : memref<10112x128xf32, #tpu.memory_space<vmem_shared>>)
        tpu.yield
      }) : () -> ()
      %add3A_155 = arith.constant 1 : i32
      %add3A_156 = arith.addi %while3A_105, %add3A_155 : i32
      %lt3A_157 = arith.cmpi slt, %add3A_156, %select_n3A_88 : i32
      %convert_element_type3A_158 = arith.extui %lt3A_157 : i1 to i32
      %cond3A_159 = arith.constant 0 : i32
      %cond3A_160 = arith.cmpi ne, %convert_element_type3A_158, %cond3A_159 : i32
      scf.if %cond3A_160 {
        %add3A_188 = arith.constant 2 : i32
        %add3A_189 = arith.addi %mul3A_108, %add3A_188 : i32
        %mul3A_190 = arith.constant 128 : i32
        %mul3A_191 = arith.muli %add3A_189, %mul3A_190 : i32
        %dma_start3A_192 = tpu.memref_slice %arg5[%mul3A_191] : memref<10240xi32, #tpu.memory_space<vmem>> -> memref<128xi32, #tpu.memory_space<vmem>>
        %dma_start3A_193 = arith.constant 0 : i32
        %dma_start3A_194 = arith.constant 0 : i32
        %dma_start3A_195 = tpu.memref_slice %arg3[%dma_start3A_193, %dma_start3A_194] : memref<10000x128xf32, #tpu.memory_space<hbm>> -> memref<10000x128xf32, #tpu.memory_space<hbm>>
        tpu.enqueue_indirect_dma source(%dma_start3A_195 : memref<10000x128xf32, #tpu.memory_space<hbm>>) target(%arg7 : memref<128x128xf32, #tpu.memory_space<vmem>>) offsets(%dma_start3A_192 : memref<128xi32, #tpu.memory_space<vmem>>) semaphore(%arg10 : memref<!tpu.dma_semaphore, #tpu.memory_space<semaphore_mem>>)
        %add3A_196 = arith.constant 2 : i32
        %add3A_197 = arith.addi %mul3A_108, %add3A_196 : i32
        %mul3A_198 = arith.constant 128 : i32
        %mul3A_199 = arith.muli %add3A_197, %mul3A_198 : i32
        %add3A_200 = arith.addi %mul3A_2, %mul3A_199 : i32
        %dma_start3A_201 = arith.constant 1 : i32
        %dma_start3A_202 = arith.constant 0 : i32
        %dma_start3A_203 = arith.constant 0 : i32
        %dma_start3A_204 = tpu.memref_slice %arg6[%dma_start3A_202, %dma_start3A_203] : memref<2x128xi32, #tpu.memory_space<vmem>> -> memref<1x128xi32, #tpu.memory_space<vmem>>
        %dma_start3A_205 = tpu.memref_squeeze %dma_start3A_204 : memref<1x128xi32, #tpu.memory_space<vmem>> -> memref<128xi32, #tpu.memory_space<vmem>>
        %dma_start3A_206 = tpu.memref_slice %arg2[%dma_start3A_201, %add3A_200] : memref<2x320000xi32, #tpu.memory_space<hbm>> -> memref<1x128xi32, #tpu.memory_space<hbm>>
        %dma_start3A_207 = tpu.memref_squeeze %dma_start3A_206 : memref<1x128xi32, #tpu.memory_space<hbm>> -> memref<128xi32, #tpu.memory_space<hbm>>
        %dma_start3A_208 = arith.constant 0 : i32
        %dma_start3A_209 = tpu.memref_slice %arg6[%dma_start3A_202, %dma_start3A_208] : memref<2x128xi32, #tpu.memory_space<vmem>> -> memref<1x128xi32, #tpu.memory_space<vmem>>
        %dma_start3A_210 = tpu.memref_squeeze %dma_start3A_209 : memref<1x128xi32, #tpu.memory_space<vmem>> -> memref<128xi32, #tpu.memory_space<vmem>>
        %dma_start3A_211 = tpu.memref_slice %arg2[%dma_start3A_201, %add3A_200] : memref<2x320000xi32, #tpu.memory_space<hbm>> -> memref<1x128xi32, #tpu.memory_space<hbm>>
        %dma_start3A_212 = tpu.memref_squeeze %dma_start3A_211 : memref<1x128xi32, #tpu.memory_space<hbm>> -> memref<128xi32, #tpu.memory_space<hbm>>
        tpu.enqueue_dma source(%dma_start3A_212 : memref<128xi32, #tpu.memory_space<hbm>>) target(%dma_start3A_210 : memref<128xi32, #tpu.memory_space<vmem>>) target_semaphore(%arg12 : memref<!tpu.dma_semaphore, #tpu.memory_space<semaphore_mem>>)
      } else {
      }
      %add3A_161 = arith.constant 1 : i32
      %add3A_162 = arith.addi %mul3A_108, %add3A_161 : i32
      %mul3A_163 = arith.constant 128 : i32
      %mul3A_164 = arith.muli %add3A_162, %mul3A_163 : i32
      %dma_wait3A_165 = tpu.memref_slice %arg5[%mul3A_164] : memref<10240xi32, #tpu.memory_space<vmem>> -> memref<128xi32, #tpu.memory_space<vmem>>
      %dma_wait3A_166 = arith.constant 0 : i32
      %dma_wait3A_167 = arith.constant 0 : i32
      %dma_wait3A_168 = tpu.memref_slice %arg3[%dma_wait3A_166, %dma_wait3A_167] : memref<10000x128xf32, #tpu.memory_space<hbm>> -> memref<10000x128xf32, #tpu.memory_space<hbm>>
      tpu.wait_indirect_dma semaphore(%arg11 : memref<!tpu.dma_semaphore, #tpu.memory_space<semaphore_mem>>) src(%dma_wait3A_168 : memref<10000x128xf32, #tpu.memory_space<hbm>>) dst(%arg8 : memref<128x128xf32, #tpu.memory_space<vmem>>)
      %add3A_169 = arith.constant 1 : i32
      %add3A_170 = arith.addi %mul3A_108, %add3A_169 : i32
      %mul3A_171 = arith.constant 128 : i32
      %mul3A_172 = arith.muli %add3A_170, %mul3A_171 : i32
      %add3A_173 = arith.addi %mul3A_2, %mul3A_172 : i32
      %dma_wait3A_174 = arith.constant 1 : i32
      %dma_wait3A_175 = arith.constant 1 : i32
      %dma_wait3A_176 = arith.constant 0 : i32
      %dma_wait3A_177 = tpu.memref_slice %arg6[%dma_wait3A_175, %dma_wait3A_176] : memref<2x128xi32, #tpu.memory_space<vmem>> -> memref<1x128xi32, #tpu.memory_space<vmem>>
      %dma_wait3A_178 = tpu.memref_squeeze %dma_wait3A_177 : memref<1x128xi32, #tpu.memory_space<vmem>> -> memref<128xi32, #tpu.memory_space<vmem>>
      %dma_wait3A_179 = tpu.memref_slice %arg2[%dma_wait3A_174, %add3A_173] : memref<2x320000xi32, #tpu.memory_space<hbm>> -> memref<1x128xi32, #tpu.memory_space<hbm>>
      %dma_wait3A_180 = tpu.memref_squeeze %dma_wait3A_179 : memref<1x128xi32, #tpu.memory_space<hbm>> -> memref<128xi32, #tpu.memory_space<hbm>>
      %dma_wait3A_181 = arith.constant 0 : i32
      %dma_wait3A_182 = tpu.memref_slice %arg6[%dma_wait3A_175, %dma_wait3A_181] : memref<2x128xi32, #tpu.memory_space<vmem>> -> memref<1x128xi32, #tpu.memory_space<vmem>>
      %dma_wait3A_183 = tpu.memref_squeeze %dma_wait3A_182 : memref<1x128xi32, #tpu.memory_space<vmem>> -> memref<128xi32, #tpu.memory_space<vmem>>
      %dma_wait3A_184 = tpu.memref_slice %arg2[%dma_wait3A_174, %add3A_173] : memref<2x320000xi32, #tpu.memory_space<hbm>> -> memref<1x128xi32, #tpu.memory_space<hbm>>
      %dma_wait3A_185 = tpu.memref_squeeze %dma_wait3A_184 : memref<1x128xi32, #tpu.memory_space<hbm>> -> memref<128xi32, #tpu.memory_space<hbm>>
      tpu.wait_dma2 semaphore(%arg13 : memref<!tpu.dma_semaphore, #tpu.memory_space<semaphore_mem>>) src(%dma_wait3A_185 : memref<128xi32, #tpu.memory_space<hbm>>) dst(%dma_wait3A_183 : memref<128xi32, #tpu.memory_space<vmem>>)
      %run_scoped3A_186 = arith.constant 1 : i32
      "tpu.region"() ({
        %run_scoped3A_188 = tpu.sem_alloc : memref<!tpu.dma_semaphore, #tpu.memory_space<semaphore_mem>>
        %dma_start3A_189 = arith.constant 0 : i32
        %dma_start3A_190 = tpu.memref_slice %arg6[%run_scoped3A_186, %dma_start3A_189] : memref<2x128xi32, #tpu.memory_space<vmem>> -> memref<1x128xi32, #tpu.memory_space<vmem>>
        %dma_start3A_191 = tpu.memref_squeeze %dma_start3A_190 : memref<1x128xi32, #tpu.memory_space<vmem>> -> memref<128xi32, #tpu.memory_space<vmem>>
        %dma_start3A_192 = arith.constant 0 : i32
        %dma_start3A_193 = arith.constant 0 : i32
        %dma_start3A_194 = tpu.memref_slice %arg9[%dma_start3A_192, %dma_start3A_193] : memref<10112x128xf32, #tpu.memory_space<vmem_shared>> -> memref<10112x128xf32, #tpu.memory_space<vmem_shared>>
        tpu.enqueue_indirect_dma source(%arg8 : memref<128x128xf32, #tpu.memory_space<vmem>>) target(%dma_start3A_194 : memref<10112x128xf32, #tpu.memory_space<vmem_shared>>) offsets(%dma_start3A_191 : memref<128xi32, #tpu.memory_space<vmem>>) semaphore(%run_scoped3A_188 : memref<!tpu.dma_semaphore, #tpu.memory_space<semaphore_mem>>) {add = true}
        %dma_wait3A_195 = arith.constant 0 : i32
        %dma_wait3A_196 = tpu.memref_slice %arg6[%run_scoped3A_186, %dma_wait3A_195] : memref<2x128xi32, #tpu.memory_space<vmem>> -> memref<1x128xi32, #tpu.memory_space<vmem>>
        %dma_wait3A_197 = tpu.memref_squeeze %dma_wait3A_196 : memref<1x128xi32, #tpu.memory_space<vmem>> -> memref<128xi32, #tpu.memory_space<vmem>>
        %dma_wait3A_198 = arith.constant 0 : i32
        %dma_wait3A_199 = arith.constant 0 : i32
        %dma_wait3A_200 = tpu.memref_slice %arg9[%dma_wait3A_198, %dma_wait3A_199] : memref<10112x128xf32, #tpu.memory_space<vmem_shared>> -> memref<10112x128xf32, #tpu.memory_space<vmem_shared>>
        tpu.wait_indirect_dma semaphore(%run_scoped3A_188 : memref<!tpu.dma_semaphore, #tpu.memory_space<semaphore_mem>>) src(%arg8 : memref<128x128xf32, #tpu.memory_space<vmem>>) dst(%dma_wait3A_200 : memref<10112x128xf32, #tpu.memory_space<vmem_shared>>)
        tpu.yield
      }) : () -> ()
      %while3A_187 = arith.constant 0 : i32
      scf.yield %while3A_187 : i32
    }
    %barrier3A_104 = arith.constant 0 : index
    tpu.barrier barrier_id(%barrier3A_104)
    "tpu.region"() ({
      %run_scoped3A = tpu.sem_alloc : memref<!tpu.dma_semaphore, #tpu.memory_space<semaphore_mem>>
      %dma_start3A_105 = arith.constant 0 : i32
      %dma_start3A_106 = tpu.memref_slice %arg4[%arg0, %mul3A_17, %dma_start3A_105] : memref<2x10112x128xf32, #tpu.memory_space<hbm>> -> memref<1x632x128xf32, #tpu.memory_space<hbm>>
      %dma_start3A_107 = tpu.memref_squeeze %dma_start3A_106 : memref<1x632x128xf32, #tpu.memory_space<hbm>> -> memref<632x128xf32, #tpu.memory_space<hbm>>
      %dma_start3A_108 = arith.constant 0 : i32
      %dma_start3A_109 = tpu.memref_slice %arg9[%mul3A_17, %dma_start3A_108] : memref<10112x128xf32, #tpu.memory_space<vmem_shared>> -> memref<632x128xf32, #tpu.memory_space<vmem_shared>>
      tpu.enqueue_dma source(%dma_start3A_109 : memref<632x128xf32, #tpu.memory_space<vmem_shared>>) target(%dma_start3A_107 : memref<632x128xf32, #tpu.memory_space<hbm>>) target_semaphore(%run_scoped3A : memref<!tpu.dma_semaphore, #tpu.memory_space<semaphore_mem>>)
      %dma_wait3A_110 = arith.constant 0 : i32
      %dma_wait3A_111 = tpu.memref_slice %arg4[%arg0, %mul3A_17, %dma_wait3A_110] : memref<2x10112x128xf32, #tpu.memory_space<hbm>> -> memref<1x632x128xf32, #tpu.memory_space<hbm>>
      %dma_wait3A_112 = tpu.memref_squeeze %dma_wait3A_111 : memref<1x632x128xf32, #tpu.memory_space<hbm>> -> memref<632x128xf32, #tpu.memory_space<hbm>>
      %dma_wait3A_113 = arith.constant 0 : i32
      %dma_wait3A_114 = tpu.memref_slice %arg9[%mul3A_17, %dma_wait3A_113] : memref<10112x128xf32, #tpu.memory_space<vmem_shared>> -> memref<632x128xf32, #tpu.memory_space<vmem_shared>>
      tpu.wait_dma2 semaphore(%run_scoped3A : memref<!tpu.dma_semaphore, #tpu.memory_space<semaphore_mem>>) src(%dma_wait3A_114 : memref<632x128xf32, #tpu.memory_space<vmem_shared>>) dst(%dma_wait3A_112 : memref<632x128xf32, #tpu.memory_space<hbm>>)
      tpu.yield
    }) : () -> ()
    return
  }
}

#map = affine_map<(d0, d1) -> (0, 0)>
module attributes {stable_mosaic.version = 14 : i64} {
  func.func @deg_kernel(%arg0: i32, %arg1: i32, %arg2: memref<2x320000xi32, #tpu.memory_space<hbm>>, %arg3: memref<32x10112xf32, #tpu.memory_space<hbm>>, %arg4: memref<10240xi32, #tpu.memory_space<vmem>>, %arg5: memref<10112xf32, #tpu.memory_space<vmem>>) attributes {dimension_semantics = [#tpu.dimension_semantics<core_parallel>, #tpu.dimension_semantics<subcore_parallel>], iteration_bounds = array<i64: 2, 16>, scalar_prefetch = 0 : i64, scratch_operands = 2 : i64, tpu.core_type = #tpu.core_type<sc_vector_subcore>, window_params = [{transform_indices = #map}, {transform_indices = #map}]} {
    %mul3A = arith.constant 2 : i32
    %mul3A_0 = arith.muli %arg1, %mul3A : i32
    %add3A = arith.addi %mul3A_0, %arg0 : i32
    %broadcast_in_dim3A = arith.constant 0.000000e+00 : f32
    %broadcast_in_dim3A_1 = vector.broadcast %broadcast_in_dim3A : f32 to vector<16xf32>
    %scan3A = arith.constant 0 : i32
    %scan3A_2 = arith.constant 0 : i32
    %scan3A_3 = arith.constant 632 : i32
    %scan3A_4 = arith.addi %scan3A_2, %scan3A_3 : i32
    %scan3A_5 = arith.constant 1 : i32
    %scan3A_6 = scf.for %scan3A_52 = %scan3A_2 to %scan3A_4 step %scan3A_5 iter_args(%scan3A_53 = %scan3A) -> (i32)  : i32 {
      %mul3A_54 = arith.constant 16 : i32
      %mul3A_55 = arith.muli %scan3A_52, %mul3A_54 : i32
      %swap3A = arith.index_cast %mul3A_55 : i32 to index
      %swap3A_56 = tpu.vector_load %arg5[%swap3A] {strides = array<i32>} : memref<10112xf32, #tpu.memory_space<vmem>>, vector<16xf32>,
      tpu.vector_store %arg5[%swap3A], %broadcast_in_dim3A_1 {strides = array<i32>} : memref<10112xf32, #tpu.memory_space<vmem>>, vector<16xf32>,
      %scan3A_57 = arith.constant 0 : i32
      scf.yield %scan3A_57 : i32
    }
    %scan3A_7 = arith.constant 632 : i32
    %lt3A = arith.constant 31 : i32
    %lt3A_8 = arith.cmpi slt, %add3A, %lt3A : i32
    %convert_element_type3A = arith.extui %lt3A_8 : i1 to i32
    %cond3A = arith.constant 0 : i32
    %cond3A_9 = arith.cmpi ne, %convert_element_type3A, %cond3A : i32
    scf.if %cond3A_9 {
      %mul3A_52 = arith.constant 10240 : i32
      %mul3A_53 = arith.muli %add3A, %mul3A_52 : i32
      %run_scoped3A = arith.constant 1 : i32
      "tpu.region"() ({
        %run_scoped3A_54 = tpu.sem_alloc : memref<!tpu.dma_semaphore, #tpu.memory_space<semaphore_mem>>
        %dma_start3A = tpu.memref_slice %arg2[%run_scoped3A, %mul3A_53] : memref<2x320000xi32, #tpu.memory_space<hbm>> -> memref<1x10240xi32, #tpu.memory_space<hbm>>
        %dma_start3A_55 = tpu.memref_squeeze %dma_start3A : memref<1x10240xi32, #tpu.memory_space<hbm>> -> memref<10240xi32, #tpu.memory_space<hbm>>
        %dma_start3A_56 = tpu.memref_slice %arg2[%run_scoped3A, %mul3A_53] : memref<2x320000xi32, #tpu.memory_space<hbm>> -> memref<1x10240xi32, #tpu.memory_space<hbm>>
        %dma_start3A_57 = tpu.memref_squeeze %dma_start3A_56 : memref<1x10240xi32, #tpu.memory_space<hbm>> -> memref<10240xi32, #tpu.memory_space<hbm>>
        tpu.enqueue_dma source(%dma_start3A_57 : memref<10240xi32, #tpu.memory_space<hbm>>) target(%arg4 : memref<10240xi32, #tpu.memory_space<vmem>>) target_semaphore(%run_scoped3A_54 : memref<!tpu.dma_semaphore, #tpu.memory_space<semaphore_mem>>)
        %dma_wait3A = tpu.memref_slice %arg2[%run_scoped3A, %mul3A_53] : memref<2x320000xi32, #tpu.memory_space<hbm>> -> memref<1x10240xi32, #tpu.memory_space<hbm>>
        %dma_wait3A_58 = tpu.memref_squeeze %dma_wait3A : memref<1x10240xi32, #tpu.memory_space<hbm>> -> memref<10240xi32, #tpu.memory_space<hbm>>
        %dma_wait3A_59 = tpu.memref_slice %arg2[%run_scoped3A, %mul3A_53] : memref<2x320000xi32, #tpu.memory_space<hbm>> -> memref<1x10240xi32, #tpu.memory_space<hbm>>
        %dma_wait3A_60 = tpu.memref_squeeze %dma_wait3A_59 : memref<1x10240xi32, #tpu.memory_space<hbm>> -> memref<10240xi32, #tpu.memory_space<hbm>>
        tpu.wait_dma2 semaphore(%run_scoped3A_54 : memref<!tpu.dma_semaphore, #tpu.memory_space<semaphore_mem>>) src(%dma_wait3A_60 : memref<10240xi32, #tpu.memory_space<hbm>>) dst(%arg4 : memref<10240xi32, #tpu.memory_space<vmem>>)
        tpu.yield
      }) : () -> ()
    } else {
    }
    %eq3A = arith.constant 31 : i32
    %eq3A_10 = arith.cmpi eq, %add3A, %eq3A : i32
    %convert_element_type3A_11 = arith.extui %eq3A_10 : i1 to i32
    %cond3A_12 = arith.constant 0 : i32
    %cond3A_13 = arith.cmpi ne, %convert_element_type3A_11, %cond3A_12 : i32
    scf.if %cond3A_13 {
      %run_scoped3A = arith.constant 1 : i32
      "tpu.region"() ({
        %run_scoped3A_52 = tpu.sem_alloc : memref<!tpu.dma_semaphore, #tpu.memory_space<semaphore_mem>>
        %dma_start3A = arith.constant 0 : i32
        %dma_start3A_53 = tpu.memref_slice %arg4[%dma_start3A] : memref<10240xi32, #tpu.memory_space<vmem>> -> memref<2560xi32, #tpu.memory_space<vmem>>
        %dma_start3A_54 = arith.constant 317440 : i32
        %dma_start3A_55 = tpu.memref_slice %arg2[%run_scoped3A, %dma_start3A_54] : memref<2x320000xi32, #tpu.memory_space<hbm>> -> memref<1x2560xi32, #tpu.memory_space<hbm>>
        %dma_start3A_56 = tpu.memref_squeeze %dma_start3A_55 : memref<1x2560xi32, #tpu.memory_space<hbm>> -> memref<2560xi32, #tpu.memory_space<hbm>>
        %dma_start3A_57 = arith.constant 0 : i32
        %dma_start3A_58 = tpu.memref_slice %arg4[%dma_start3A_57] : memref<10240xi32, #tpu.memory_space<vmem>> -> memref<2560xi32, #tpu.memory_space<vmem>>
        %dma_start3A_59 = arith.constant 317440 : i32
        %dma_start3A_60 = tpu.memref_slice %arg2[%run_scoped3A, %dma_start3A_59] : memref<2x320000xi32, #tpu.memory_space<hbm>> -> memref<1x2560xi32, #tpu.memory_space<hbm>>
        %dma_start3A_61 = tpu.memref_squeeze %dma_start3A_60 : memref<1x2560xi32, #tpu.memory_space<hbm>> -> memref<2560xi32, #tpu.memory_space<hbm>>
        tpu.enqueue_dma source(%dma_start3A_61 : memref<2560xi32, #tpu.memory_space<hbm>>) target(%dma_start3A_58 : memref<2560xi32, #tpu.memory_space<vmem>>) target_semaphore(%run_scoped3A_52 : memref<!tpu.dma_semaphore, #tpu.memory_space<semaphore_mem>>)
        %dma_wait3A = arith.constant 0 : i32
        %dma_wait3A_62 = tpu.memref_slice %arg4[%dma_wait3A] : memref<10240xi32, #tpu.memory_space<vmem>> -> memref<2560xi32, #tpu.memory_space<vmem>>
        %dma_wait3A_63 = arith.constant 317440 : i32
        %dma_wait3A_64 = tpu.memref_slice %arg2[%run_scoped3A, %dma_wait3A_63] : memref<2x320000xi32, #tpu.memory_space<hbm>> -> memref<1x2560xi32, #tpu.memory_space<hbm>>
        %dma_wait3A_65 = tpu.memref_squeeze %dma_wait3A_64 : memref<1x2560xi32, #tpu.memory_space<hbm>> -> memref<2560xi32, #tpu.memory_space<hbm>>
        %dma_wait3A_66 = arith.constant 0 : i32
        %dma_wait3A_67 = tpu.memref_slice %arg4[%dma_wait3A_66] : memref<10240xi32, #tpu.memory_space<vmem>> -> memref<2560xi32, #tpu.memory_space<vmem>>
        %dma_wait3A_68 = arith.constant 317440 : i32
        %dma_wait3A_69 = tpu.memref_slice %arg2[%run_scoped3A, %dma_wait3A_68] : memref<2x320000xi32, #tpu.memory_space<hbm>> -> memref<1x2560xi32, #tpu.memory_space<hbm>>
        %dma_wait3A_70 = tpu.memref_squeeze %dma_wait3A_69 : memref<1x2560xi32, #tpu.memory_space<hbm>> -> memref<2560xi32, #tpu.memory_space<hbm>>
        tpu.wait_dma2 semaphore(%run_scoped3A_52 : memref<!tpu.dma_semaphore, #tpu.memory_space<semaphore_mem>>) src(%dma_wait3A_70 : memref<2560xi32, #tpu.memory_space<hbm>>) dst(%dma_wait3A_67 : memref<2560xi32, #tpu.memory_space<vmem>>)
        tpu.yield
      }) : () -> ()
    } else {
    }
    %lt3A_14 = arith.constant 31 : i32
    %lt3A_15 = arith.cmpi slt, %add3A, %lt3A_14 : i32
    %eq3A_16 = arith.constant 31 : i32
    %eq3A_17 = arith.cmpi eq, %add3A, %eq3A_16 : i32
    %jit3A = arith.constant 2560 : i32
    %jit3A_18 = arith.constant 0 : i32
    %select_n3A = arith.select %eq3A_17, %jit3A, %jit3A_18 : i32
    %jit3A_19 = arith.constant 10240 : i32
    %select_n3A_20 = arith.select %lt3A_15, %jit3A_19, %select_n3A : i32
    %broadcast_in_dim3A_21 = arith.constant 1.000000e+00 : f32
    %broadcast_in_dim3A_22 = vector.broadcast %broadcast_in_dim3A_21 : f32 to vector<16xf32>
    %jit3A_23 = arith.constant 64 : i32
    %div3A = arith.divsi %select_n3A_20, %jit3A_23 : i32
    %sign3A = arith.constant 0 : i32
    %sign3A_24 = arith.cmpi sgt, %select_n3A_20, %sign3A : i32
    %sign3A_25 = arith.extui %sign3A_24 : i1 to i32
    %sign3A_26 = arith.constant 0 : i32
    %sign3A_27 = arith.cmpi slt, %select_n3A_20, %sign3A_26 : i32
    %sign3A_28 = arith.extui %sign3A_27 : i1 to i32
    %sign3A_29 = arith.subi %sign3A_25, %sign3A_28 : i32
    %sign3A_30 = arith.constant 0 : i32
    %sign3A_31 = arith.cmpi sgt, %jit3A_23, %sign3A_30 : i32
    %sign3A_32 = arith.extui %sign3A_31 : i1 to i32
    %sign3A_33 = arith.constant 0 : i32
    %sign3A_34 = arith.cmpi slt, %jit3A_23, %sign3A_33 : i32
    %sign3A_35 = arith.extui %sign3A_34 : i1 to i32
    %sign3A_36 = arith.subi %sign3A_32, %sign3A_35 : i32
    %ne3A = arith.cmpi ne, %sign3A_29, %sign3A_36 : i32
    %rem3A = arith.remsi %select_n3A_20, %jit3A_23 : i32
    %ne3A_37 = arith.constant 0 : i32
    %ne3A_38 = arith.cmpi ne, %rem3A, %ne3A_37 : i32
    %and3A = arith.andi %ne3A, %ne3A_38 : i1
    %sub3A = arith.constant 1 : i32
    %sub3A_39 = arith.subi %div3A, %sub3A : i32
    %select_n3A_40 = arith.select %and3A, %sub3A_39, %div3A : i32
    %while3A = arith.constant 0 : i32
    %while3A_41 = arith.constant 0 : i32
    %while3A_42 = arith.subi %select_n3A_40, %while3A : i32
    %while3A_43 = arith.addi %while3A, %while3A_42 : i32
    %while3A_44 = arith.constant 1 : i32
    %while3A_45 = arith.divsi %while3A_42, %while3A_44 : i32
    %while3A_46 = arith.muli %while3A_45, %while3A_44 : i32
    %while3A_47 = arith.addi %while3A, %while3A_46 : i32
    %while3A_48 = arith.constant 1 : i32
    %while3A_49 = scf.for %while3A_52 = %while3A to %while3A_47 step %while3A_48 iter_args(%while3A_53 = %while3A_41) -> (i32)  : i32 {
      %mul3A_54 = arith.constant 64 : i32
      %mul3A_55 = arith.muli %while3A_52, %mul3A_54 : i32
      %add3A_56 = arith.constant 0 : i32
      %add3A_57 = arith.addi %mul3A_55, %add3A_56 : i32
      %get3A = arith.index_cast %add3A_57 : i32 to index
      %get3A_58 = tpu.vector_load %arg4[%get3A] {strides = array<i32>} : memref<10240xi32, #tpu.memory_space<vmem>>, vector<16xi32>,
      tpu.vector_store_idx %arg5[%get3A_58], %broadcast_in_dim3A_22 {add = true} : memref<10112xf32, #tpu.memory_space<vmem>>[vector<16xi32>], vector<16xf32>,
      %mul3A_59 = arith.constant 64 : i32
      %mul3A_60 = arith.muli %while3A_52, %mul3A_59 : i32
      %add3A_61 = arith.constant 16 : i32
      %add3A_62 = arith.addi %mul3A_60, %add3A_61 : i32
      %get3A_63 = arith.index_cast %add3A_62 : i32 to index
      %get3A_64 = tpu.vector_load %arg4[%get3A_63] {strides = array<i32>} : memref<10240xi32, #tpu.memory_space<vmem>>, vector<16xi32>,
      tpu.vector_store_idx %arg5[%get3A_64], %broadcast_in_dim3A_22 {add = true} : memref<10112xf32, #tpu.memory_space<vmem>>[vector<16xi32>], vector<16xf32>,
      %mul3A_65 = arith.constant 64 : i32
      %mul3A_66 = arith.muli %while3A_52, %mul3A_65 : i32
      %add3A_67 = arith.constant 32 : i32
      %add3A_68 = arith.addi %mul3A_66, %add3A_67 : i32
      %get3A_69 = arith.index_cast %add3A_68 : i32 to index
      %get3A_70 = tpu.vector_load %arg4[%get3A_69] {strides = array<i32>} : memref<10240xi32, #tpu.memory_space<vmem>>, vector<16xi32>,
      tpu.vector_store_idx %arg5[%get3A_70], %broadcast_in_dim3A_22 {add = true} : memref<10112xf32, #tpu.memory_space<vmem>>[vector<16xi32>], vector<16xf32>,
      %mul3A_71 = arith.constant 64 : i32
      %mul3A_72 = arith.muli %while3A_52, %mul3A_71 : i32
      %add3A_73 = arith.constant 48 : i32
      %add3A_74 = arith.addi %mul3A_72, %add3A_73 : i32
      %get3A_75 = arith.index_cast %add3A_74 : i32 to index
      %get3A_76 = tpu.vector_load %arg4[%get3A_75] {strides = array<i32>} : memref<10240xi32, #tpu.memory_space<vmem>>, vector<16xi32>,
      tpu.vector_store_idx %arg5[%get3A_76], %broadcast_in_dim3A_22 {add = true} : memref<10112xf32, #tpu.memory_space<vmem>>[vector<16xi32>], vector<16xf32>,
      %while3A_77 = arith.constant 0 : i32
      scf.yield %while3A_77 : i32
    }
    %while3A_50 = arith.constant 1 : i32
    %while3A_51 = scf.for %while3A_52 = %while3A_47 to %while3A_43 step %while3A_50 iter_args(%while3A_53 = %while3A_49) -> (i32)  : i32 {
      %mul3A_54 = arith.constant 64 : i32
      %mul3A_55 = arith.muli %while3A_52, %mul3A_54 : i32
      %add3A_56 = arith.constant 0 : i32
      %add3A_57 = arith.addi %mul3A_55, %add3A_56 : i32
      %get3A = arith.index_cast %add3A_57 : i32 to index
      %get3A_58 = tpu.vector_load %arg4[%get3A] {strides = array<i32>} : memref<10240xi32, #tpu.memory_space<vmem>>, vector<16xi32>,
      tpu.vector_store_idx %arg5[%get3A_58], %broadcast_in_dim3A_22 {add = true} : memref<10112xf32, #tpu.memory_space<vmem>>[vector<16xi32>], vector<16xf32>,
      %mul3A_59 = arith.constant 64 : i32
      %mul3A_60 = arith.muli %while3A_52, %mul3A_59 : i32
      %add3A_61 = arith.constant 16 : i32
      %add3A_62 = arith.addi %mul3A_60, %add3A_61 : i32
      %get3A_63 = arith.index_cast %add3A_62 : i32 to index
      %get3A_64 = tpu.vector_load %arg4[%get3A_63] {strides = array<i32>} : memref<10240xi32, #tpu.memory_space<vmem>>, vector<16xi32>,
      tpu.vector_store_idx %arg5[%get3A_64], %broadcast_in_dim3A_22 {add = true} : memref<10112xf32, #tpu.memory_space<vmem>>[vector<16xi32>], vector<16xf32>,
      %mul3A_65 = arith.constant 64 : i32
      %mul3A_66 = arith.muli %while3A_52, %mul3A_65 : i32
      %add3A_67 = arith.constant 32 : i32
      %add3A_68 = arith.addi %mul3A_66, %add3A_67 : i32
      %get3A_69 = arith.index_cast %add3A_68 : i32 to index
      %get3A_70 = tpu.vector_load %arg4[%get3A_69] {strides = array<i32>} : memref<10240xi32, #tpu.memory_space<vmem>>, vector<16xi32>,
      tpu.vector_store_idx %arg5[%get3A_70], %broadcast_in_dim3A_22 {add = true} : memref<10112xf32, #tpu.memory_space<vmem>>[vector<16xi32>], vector<16xf32>,
      %mul3A_71 = arith.constant 64 : i32
      %mul3A_72 = arith.muli %while3A_52, %mul3A_71 : i32
      %add3A_73 = arith.constant 48 : i32
      %add3A_74 = arith.addi %mul3A_72, %add3A_73 : i32
      %get3A_75 = arith.index_cast %add3A_74 : i32 to index
      %get3A_76 = tpu.vector_load %arg4[%get3A_75] {strides = array<i32>} : memref<10240xi32, #tpu.memory_space<vmem>>, vector<16xi32>,
      tpu.vector_store_idx %arg5[%get3A_76], %broadcast_in_dim3A_22 {add = true} : memref<10112xf32, #tpu.memory_space<vmem>>[vector<16xi32>], vector<16xf32>,
      %while3A_77 = arith.constant 0 : i32
      scf.yield %while3A_77 : i32
    }
    "tpu.region"() ({
      %run_scoped3A = tpu.sem_alloc : memref<!tpu.dma_semaphore, #tpu.memory_space<semaphore_mem>>
      %dma_start3A = arith.constant 0 : i32
      %dma_start3A_52 = tpu.memref_slice %arg3[%add3A, %dma_start3A] : memref<32x10112xf32, #tpu.memory_space<hbm>> -> memref<1x10112xf32, #tpu.memory_space<hbm>>
      %dma_start3A_53 = tpu.memref_squeeze %dma_start3A_52 : memref<1x10112xf32, #tpu.memory_space<hbm>> -> memref<10112xf32, #tpu.memory_space<hbm>>
      %dma_start3A_54 = arith.constant 0 : i32
      %dma_start3A_55 = tpu.memref_slice %arg3[%add3A, %dma_start3A_54] : memref<32x10112xf32, #tpu.memory_space<hbm>> -> memref<1x10112xf32, #tpu.memory_space<hbm>>
      %dma_start3A_56 = tpu.memref_squeeze %dma_start3A_55 : memref<1x10112xf32, #tpu.memory_space<hbm>> -> memref<10112xf32, #tpu.memory_space<hbm>>
      tpu.enqueue_dma source(%arg5 : memref<10112xf32, #tpu.memory_space<vmem>>) target(%dma_start3A_56 : memref<10112xf32, #tpu.memory_space<hbm>>) target_semaphore(%run_scoped3A : memref<!tpu.dma_semaphore, #tpu.memory_space<semaphore_mem>>)
      %dma_wait3A = arith.constant 0 : i32
      %dma_wait3A_57 = tpu.memref_slice %arg3[%add3A, %dma_wait3A] : memref<32x10112xf32, #tpu.memory_space<hbm>> -> memref<1x10112xf32, #tpu.memory_space<hbm>>
      %dma_wait3A_58 = tpu.memref_squeeze %dma_wait3A_57 : memref<1x10112xf32, #tpu.memory_space<hbm>> -> memref<10112xf32, #tpu.memory_space<hbm>>
      %dma_wait3A_59 = arith.constant 0 : i32
      %dma_wait3A_60 = tpu.memref_slice %arg3[%add3A, %dma_wait3A_59] : memref<32x10112xf32, #tpu.memory_space<hbm>> -> memref<1x10112xf32, #tpu.memory_space<hbm>>
      %dma_wait3A_61 = tpu.memref_squeeze %dma_wait3A_60 : memref<1x10112xf32, #tpu.memory_space<hbm>> -> memref<10112xf32, #tpu.memory_space<hbm>>
      tpu.wait_dma2 semaphore(%run_scoped3A : memref<!tpu.dma_semaphore, #tpu.memory_space<semaphore_mem>>) src(%arg5 : memref<10112xf32, #tpu.memory_space<vmem>>) dst(%dma_wait3A_61 : memref<10112xf32, #tpu.memory_space<hbm>>)
      tpu.yield
    }) : () -> ()
    return
  }
}

module attributes {stable_mosaic.version = 14 : i64} {
  func.func @_out_body(%arg0: i32, %arg1: memref<2x2048x128xf32, #tpu.memory_space<vmem>>, %arg2: memref<2048x128xf32, #tpu.memory_space<vmem>>, %arg3: memref<32x2048xf32, #tpu.memory_space<vmem>>, %arg4: memref<1x128xf32, #tpu.memory_space<vmem>>, %arg5: memref<2048x128xf32, #tpu.memory_space<vmem>>) attributes {dimension_semantics = [#tpu.dimension_semantics<arbitrary>], iteration_bounds = array<i64: 5>, scalar_prefetch = 0 : i64, scratch_operands = 0 : i64, tpu.core_type = #tpu.core_type<tc>, window_params = [{transform_indices = @transform_0, window_bounds = array<i64: 2, 2048, 128>}, {transform_indices = @transform_1, window_bounds = array<i64: 2048, 128>}, {transform_indices = @transform_2, window_bounds = array<i64: 32, 2048>}, {pipeline_mode = #tpu.pipeline_mode<synchronous>, transform_indices = @transform_3, window_bounds = array<i64: 1, 128>}, {transform_indices = @transform_4, window_bounds = array<i64: 2048, 128>}]} {
    %get3A = arith.constant 0 : index
    %get3A_0 = arith.constant 0 : index
    %get3A_1 = arith.constant 0 : index
    %get3A_2 = vector.load %arg1[%get3A, %get3A_0, %get3A_1] : memref<2x2048x128xf32, #tpu.memory_space<vmem>>, vector<1x2048x128xf32>
    %get3A_3 = vector.shape_cast %get3A_2 : vector<1x2048x128xf32> to vector<2048x128xf32>
    %get3A_4 = arith.constant 1 : index
    %get3A_5 = arith.constant 0 : index
    %get3A_6 = arith.constant 0 : index
    %get3A_7 = vector.load %arg1[%get3A_4, %get3A_5, %get3A_6] : memref<2x2048x128xf32, #tpu.memory_space<vmem>>, vector<1x2048x128xf32>
    %get3A_8 = vector.shape_cast %get3A_7 : vector<1x2048x128xf32> to vector<2048x128xf32>
    %add3A = arith.addf %get3A_3, %get3A_8 : vector<2048x128xf32>
    %get3A_9 = arith.constant 0 : index
    %get3A_10 = arith.constant 0 : index
    %get3A_11 = vector.load %arg3[%get3A_9, %get3A_10] : memref<32x2048xf32, #tpu.memory_space<vmem>>, vector<32x2048xf32>
    %reduce_sum3A = arith.constant dense<0.000000e+00> : vector<2048xf32>
    %reduce_sum3A_12 = vector.multi_reduction <add>, %get3A_11, %reduce_sum3A [0] : vector<32x2048xf32> to vector<2048xf32>
    %broadcast_in_dim3A = vector.shape_cast %reduce_sum3A_12 : vector<2048xf32> to vector<1x2048xf32>
    %add3A_13 = arith.constant 1.000000e+00 : f32
    %add3A_14 = vector.broadcast %add3A_13 : f32 to vector<1x2048xf32>
    %add3A_15 = arith.addf %broadcast_in_dim3A, %add3A_14 : vector<1x2048xf32>
    %transpose3A = tpu.transpose %add3A_15, [1, 0] : vector<1x2048xf32> -> vector<2048x1xf32>
    %rsqrt3A = math.rsqrt %transpose3A : vector<2048x1xf32>
    %get3A_16 = arith.constant 0 : index
    %get3A_17 = arith.constant 0 : index
    %get3A_18 = vector.load %arg2[%get3A_16, %get3A_17] : memref<2048x128xf32, #tpu.memory_space<vmem>>, vector<2048x128xf32>
    %add3A_19 = arith.addf %add3A, %get3A_18 : vector<2048x128xf32>
    %mul3A = vector.broadcast %rsqrt3A : vector<2048x1xf32> to vector<2048x128xf32>
    %mul3A_20 = arith.mulf %mul3A, %add3A_19 : vector<2048x128xf32>
    %get3A_21 = arith.constant 0 : index
    %get3A_22 = arith.constant 0 : index
    %get3A_23 = vector.load %arg4[%get3A_21, %get3A_22] : memref<1x128xf32, #tpu.memory_space<vmem>>, vector<1x128xf32>
    %add3A_24 = vector.broadcast %get3A_23 : vector<1x128xf32> to vector<2048x128xf32>
    %add3A_25 = arith.addf %mul3A_20, %add3A_24 : vector<2048x128xf32>
    %swap3A = arith.constant 0 : index
    %swap3A_26 = arith.constant 0 : index
    %swap3A_27 = vector.load %arg5[%swap3A, %swap3A_26] : memref<2048x128xf32, #tpu.memory_space<vmem>>, vector<2048x128xf32>
    tpu.vector_store %arg5[%swap3A, %swap3A_26], %add3A_25 {strides = array<i32>} : memref<2048x128xf32, #tpu.memory_space<vmem>>, vector<2048x128xf32>,
    return
  }
  func.func @transform_0(%arg0: i32) -> (i32, i32, i32) {
    %c0_i32 = arith.constant 0 : i32
    %c0_i32_0 = arith.constant 0 : i32
    %c0_i32_1 = arith.constant 0 : i32
    return %c0_i32, %arg0, %c0_i32_0 : i32, i32, i32
  }
  func.func @transform_1(%arg0: i32) -> (i32, i32) {
    %c0_i32 = arith.constant 0 : i32
    %c0_i32_0 = arith.constant 0 : i32
    return %arg0, %c0_i32 : i32, i32
  }
  func.func @transform_2(%arg0: i32) -> (i32, i32) {
    %c0_i32 = arith.constant 0 : i32
    %c0_i32_0 = arith.constant 0 : i32
    return %c0_i32, %arg0 : i32, i32
  }
  func.func @transform_3(%arg0: i32) -> (i32, i32) {
    %c0_i32 = arith.constant 0 : i32
    %c0_i32_0 = arith.constant 0 : i32
    %c0_i32_1 = arith.constant 0 : i32
    return %c0_i32, %c0_i32_0 : i32, i32
  }
  func.func @transform_4(%arg0: i32) -> (i32, i32) {
    %c0_i32 = arith.constant 0 : i32
    %c0_i32_0 = arith.constant 0 : i32
    return %arg0, %c0_i32 : i32, i32
  }
}

module attributes {stable_mosaic.version = 14 : i64} {
  func.func @_g_body(%arg0: i32, %arg1: memref<2048x128xf32, #tpu.memory_space<vmem>>, %arg2: memref<32x2048xf32, #tpu.memory_space<vmem>>, %arg3: memref<2048x128xf32, #tpu.memory_space<vmem>>) attributes {dimension_semantics = [#tpu.dimension_semantics<arbitrary>], iteration_bounds = array<i64: 5>, scalar_prefetch = 0 : i64, scratch_operands = 0 : i64, tpu.core_type = #tpu.core_type<tc>, window_params = [{transform_indices = @transform_0, window_bounds = array<i64: 2048, 128>}, {transform_indices = @transform_1, window_bounds = array<i64: 32, 2048>}, {transform_indices = @transform_2, window_bounds = array<i64: 2048, 128>}]} {
    %get3A = arith.constant 0 : index
    %get3A_0 = arith.constant 0 : index
    %get3A_1 = vector.load %arg1[%get3A, %get3A_0] : memref<2048x128xf32, #tpu.memory_space<vmem>>, vector<2048x128xf32>
    %get3A_2 = arith.constant 0 : index
    %get3A_3 = arith.constant 0 : index
    %get3A_4 = vector.load %arg2[%get3A_2, %get3A_3] : memref<32x2048xf32, #tpu.memory_space<vmem>>, vector<32x2048xf32>
    %reduce_sum3A = arith.constant dense<0.000000e+00> : vector<2048xf32>
    %reduce_sum3A_5 = vector.multi_reduction <add>, %get3A_4, %reduce_sum3A [0] : vector<32x2048xf32> to vector<2048xf32>
    %broadcast_in_dim3A = vector.shape_cast %reduce_sum3A_5 : vector<2048xf32> to vector<1x2048xf32>
    %add3A = arith.constant 1.000000e+00 : f32
    %add3A_6 = vector.broadcast %add3A : f32 to vector<1x2048xf32>
    %add3A_7 = arith.addf %broadcast_in_dim3A, %add3A_6 : vector<1x2048xf32>
    %transpose3A = tpu.transpose %add3A_7, [1, 0] : vector<1x2048xf32> -> vector<2048x1xf32>
    %rsqrt3A = math.rsqrt %transpose3A : vector<2048x1xf32>
    %mul3A = vector.broadcast %rsqrt3A : vector<2048x1xf32> to vector<2048x128xf32>
    %mul3A_8 = arith.mulf %get3A_1, %mul3A : vector<2048x128xf32>
    %swap3A = arith.constant 0 : index
    %swap3A_9 = arith.constant 0 : index
    %swap3A_10 = vector.load %arg3[%swap3A, %swap3A_9] : memref<2048x128xf32, #tpu.memory_space<vmem>>, vector<2048x128xf32>
    tpu.vector_store %arg3[%swap3A, %swap3A_9], %mul3A_8 {strides = array<i32>} : memref<2048x128xf32, #tpu.memory_space<vmem>>, vector<2048x128xf32>,
    return
  }
  func.func @transform_0(%arg0: i32) -> (i32, i32) {
    %c0_i32 = arith.constant 0 : i32
    %c0_i32_0 = arith.constant 0 : i32
    return %arg0, %c0_i32 : i32, i32
  }
  func.func @transform_1(%arg0: i32) -> (i32, i32) {
    %c0_i32 = arith.constant 0 : i32
    %c0_i32_0 = arith.constant 0 : i32
    return %c0_i32, %arg0 : i32, i32
  }
  func.func @transform_2(%arg0: i32) -> (i32, i32) {
    %c0_i32 = arith.constant 0 : i32
    %c0_i32_0 = arith.constant 0 : i32
    return %arg0, %c0_i32 : i32, i32
  }
}

module attributes {stable_mosaic.version = 14 : i64} {
  func.func @_h_body(%arg0: i32, %arg1: memref<2048x128xf32, #tpu.memory_space<vmem>>, %arg2: memref<128x128xf32, #tpu.memory_space<vmem>>, %arg3: memref<2048x128xf32, #tpu.memory_space<vmem>>) attributes {dimension_semantics = [#tpu.dimension_semantics<arbitrary>], iteration_bounds = array<i64: 5>, scalar_prefetch = 0 : i64, scratch_operands = 0 : i64, tpu.core_type = #tpu.core_type<tc>, window_params = [{transform_indices = @transform_0, window_bounds = array<i64: 2048, 128>}, {pipeline_mode = #tpu.pipeline_mode<synchronous>, transform_indices = @transform_1, window_bounds = array<i64: 128, 128>}, {transform_indices = @transform_2, window_bounds = array<i64: 2048, 128>}]} {
    %get3A = arith.constant 0 : index
    %get3A_0 = arith.constant 0 : index
    %get3A_1 = vector.load %arg1[%get3A, %get3A_0] : memref<2048x128xf32, #tpu.memory_space<vmem>>, vector<2048x128xf32>
    %get3A_2 = arith.constant 0 : index
    %get3A_3 = arith.constant 0 : index
    %get3A_4 = vector.load %arg2[%get3A_2, %get3A_3] : memref<128x128xf32, #tpu.memory_space<vmem>>, vector<128x128xf32>
    %dot_general3A = arith.constant dense<0.000000e+00> : vector<2048x128xf32>
    %dot_general3A_5 = tpu.matmul %get3A_1, %get3A_4, %dot_general3A {dimension_numbers = #tpu.dot_dimension_numbers<[1], [0], [0], [1], [0, 0, 1, 1], [], []>, transpose_lhs_hint = false} : vector<2048x128xf32>, vector<128x128xf32>, vector<2048x128xf32> -> vector<2048x128xf32>
    %swap3A = arith.constant 0 : index
    %swap3A_6 = arith.constant 0 : index
    %swap3A_7 = vector.load %arg3[%swap3A, %swap3A_6] : memref<2048x128xf32, #tpu.memory_space<vmem>>, vector<2048x128xf32>
    tpu.vector_store %arg3[%swap3A, %swap3A_6], %dot_general3A_5 {strides = array<i32>} : memref<2048x128xf32, #tpu.memory_space<vmem>>, vector<2048x128xf32>,
    return
  }
  func.func @transform_0(%arg0: i32) -> (i32, i32) {
    %c0_i32 = arith.constant 0 : i32
    %c0_i32_0 = arith.constant 0 : i32
    return %arg0, %c0_i32 : i32, i32
  }
  func.func @transform_1(%arg0: i32) -> (i32, i32) {
    %c0_i32 = arith.constant 0 : i32
    %c0_i32_0 = arith.constant 0 : i32
    %c0_i32_1 = arith.constant 0 : i32
    return %c0_i32, %c0_i32_0 : i32, i32
  }
  func.func @transform_2(%arg0: i32) -> (i32, i32) {
    %c0_i32 = arith.constant 0 : i32
    %c0_i32_0 = arith.constant 0 : i32
    return %arg0, %c0_i32 : i32, i32
  }
}

</mosaic_0001>

<sc_bundles>
// kernel: kernel.10.cloned.1.call-start
scs
__scs_entry_jumppad:
0x0: {  	(pc) =	sbr.rel $0x88, $3  }
0x1: {  	(tag) =	ssettag $0x0;
	lr =	simm.s32 $0x1  }
0x2: {  	[smem:$0x3F9D] =	sst lr;
	_ =	strace $0xD0000000  }
0x3: {  	_ = 	snop  }
0x4: {  	_ = 	snop  }
0x5: {  	_ = 	snop  }
0x6: {  	_ = 	snop  }
0x7: {  	_ = 	snop  }
__scs_overlays_trampoline_lowered:
0x8: {  	[smem:$0x3FAC] =	sst s0  }
0x9: {  	[smem:$0x3FAD] =	sst s1  }
0xa: {  	[smem:$0x3FAE] =	sst s2  }
0xb: {  	[smem:$0x3FAF] =	sst s3  }
0xc: {  	[smem:$0x3FB0] =	sst s4  }
0xd: {  	[smem:$0x3FB1] =	sst s5  }
0xe: {  	[smem:$0x3FB2] =	sst s6  }
0xf: {  	[smem:$0x3FB3] =	sst s7  }
0x10: {  	[smem:$0x3FB4] =	sst s8  }
0x11: {  	[smem:$0x3FB5] =	sst s9;
	s0 =	simm.s32 @!p0 $0x0  }
0x12: {  	s1 =	sld [smem:$0x3F9B];
	s0 =	simm.s32 @p0 $0x1  }
0x13: {  	[smem:$0x3FB6] =	sst s0;
	s0 =	simm.s32 @!p1 $0x0  }
0x14: {  	s2 =	sld [smem:$0x3F9A];
	s0 =	simm.s32 @p1 $0x1  }
0x15: {  	[smem:$0x3FB7] =	sst s0;
	s0 =	simm.s32 @!p2 $0x0  }
0x16: {  	s3 =	sld [smem:$0x3FDB];
	s0 =	simm.s32 @p2 $0x1  }
0x17: {  	s4 =	simm.s32 $0x1BF5;
	[smem:$0x3FB9] =	sst s0  }
0x18: {  	s0 =	sld [smem:$0x3F9C];
	_ =	swait.ge [sflag:s4], $0x0  }
0x19: {  	s7 =	sld [smem:$0x3F9D]  }
0x1a: {  	s8 =	sadd.s32 $0xFFFFE003, lr  }
0x1b: {  	s9 =	sadd.s32 $0xFFFFFEF7, lr;
	s5 =	simm.s32 $0xFFFFFFFF;
	p2 =	slt.u32 s8, $0xFFFFF086  }
0x1c: {  	p1 =	slt.u32 s9, $0xF7A;
	s5 =	simm.s32 @!p2 $0x0  }
0x1d: {  	s5 =	simm.s32 @p1 $0x1;
	p0 =	seq.s32 s7, s2  }
0x1e: {  	s7 =	smul.u32 @!p0 $0xF7A, s2;
	p2 =	seq.s32 @!p0 s5, $0x0  }
0x1f: {  	s9 =	smul.u32 $0xF7A, s1;
	s8 =	simm.s32 @!p0 $0x1BF5;
	p2 =	por !p2, p0  }
0x20: {  	[sflag:s8] =	ssyncset.s32 @!p0 $0xFFFFF086;
	s6 =	sadd.s32 @!p0 s3, s7;
	s7 =	simm.s32 @!p0 $0x108  }
0x21: {  	s3 =	sadd.s32 s3, s9;
	s6 =	sadd.s32 @!p0 $0x88, s6;
	s7 =	simm.s32 @p2 $0x1082  }
0x22: {  	[simem:s7], [sflag:s8] =	dma.local @!p0 [hbm:s6], $0xF7A  }
0x23: {  	s9 =	sor.u32 $0xD0000000, s2;
	s6 =	simm.s32 $0x108;
	_ =	swait.ge @!p0 [sflag:s8], $0x0  }
0x24: {  	s3 =	sadd.s32 $0x88, s3;
	s6 =	simm.s32 @!p1 $0x1082;
	[sflag:s4] =	ssyncset.s32 $0xFFFFF086  }
0x25: {  	[simem:s6], [sflag:s4] =	dma.local [hbm:s3], $0xF7A  }
0x26: {  	[smem:$0x3F9D] =	sst s1;
	(tag) =	ssettag s2;
	_ =	strace s9  }
0x27: {  	s1 =	sld [smem:$0x3FAD]  }
0x28: {  	s2 =	sld [smem:$0x3FAE]  }
0x29: {  	s4 =	sld [smem:$0x3FB0]  }
0x2a: {  	p0 =	seq.s32 s5, $0x0;
	s5 =	sld [smem:$0x3FB1]  }
0x2b: {  	s6 =	sld [smem:$0x3FB2]  }
0x2c: {  	s7 =	sld [smem:$0x3FB3]  }
0x2d: {  	s3 =	simm.s32 $0x108;
	s8 =	sld [smem:$0x3FB4]  }
0x2e: {  	s3 =	simm.s32 @!p0 $0x1082;
	s9 =	sld [smem:$0x3FB5]  }
0x2f: {  	lr =	sadd.s32 s0, s3;
	s0 =	sld [smem:$0x3FAC]  }
0x30: {  	s3 =	sld [smem:$0x3FAF]  }
0x31: {  	[smem:$0x3FB8] =	sst s10  }
0x32: {  	s10 =	sld [smem:$0x3FB6];
	_ =	sdelay $0x3  }
0x33: {  	p0 =	seq.s32 s10, $0x1;
	s10 =	sld [smem:$0x3FB8];
	_ =	sdelay $0x3  }
0x34: {  	[smem:$0x3FB8] =	sst s10  }
0x35: {  	s10 =	sld [smem:$0x3FB7];
	_ =	sdelay $0x3  }
0x36: {  	p1 =	seq.s32 s10, $0x1;
	s10 =	sld [smem:$0x3FB8];
	_ =	sdelay $0x3  }
0x37: {  	[smem:$0x3FB8] =	sst s10  }
0x38: {  	s10 =	sld [smem:$0x3FB9]  }
0x39: {  	_ = 	snop;
	(pc) =	sbr.ind lr, $3  }
0x3a: {  	_ = 	snop  }
0x3b: {  	_ = 	snop  }
0x3c: {  	p2 =	seq.s32 s10, $0x1;
	s10 =	sld [smem:$0x3FB8]  }
0x3d: {  	_ =	shalt  }
0x3e: {  	_ =	shalt  }
0x3f: {  	_ =	shalt  }
0x40: {  	_ =	shalt  }
0x41: {  	_ =	shalt  }
0x42: {  	_ =	shalt  }
0x43: {  	_ =	shalt  }
0x44: {  	_ =	shalt  }
0x45: {  	_ =	shalt  }
0x46: {  	_ =	shalt  }
0x47: {  	_ =	shalt  }
0x48: {  	_ =	shalt  }
0x49: {  	_ =	shalt  }
0x4a: {  	_ =	shalt  }
0x4b: {  	_ =	shalt  }
0x4c: {  	_ =	shalt  }
0x4d: {  	_ =	shalt  }
0x4e: {  	_ =	shalt  }
0x4f: {  	_ =	shalt  }
0x50: {  	_ =	shalt  }
0x51: {  	_ =	shalt  }
0x52: {  	_ =	shalt  }
0x53: {  	_ =	shalt  }
0x54: {  	_ =	shalt  }
0x55: {  	_ =	shalt  }
0x56: {  	_ =	shalt  }
0x57: {  	_ =	shalt  }
0x58: {  	_ =	shalt  }
0x59: {  	_ =	shalt  }
0x5a: {  	_ =	shalt  }
0x5b: {  	_ =	shalt  }
0x5c: {  	_ =	shalt  }
0x5d: {  	_ =	shalt  }
0x5e: {  	_ =	shalt  }
0x5f: {  	_ =	shalt  }
0x60: {  	_ =	shalt  }
0x61: {  	_ =	shalt  }
0x62: {  	_ =	shalt  }
0x63: {  	_ =	shalt  }
0x64: {  	_ =	shalt  }
0x65: {  	_ =	shalt  }
0x66: {  	_ =	shalt  }
0x67: {  	_ =	shalt  }
0x68: {  	_ =	shalt  }
0x69: {  	_ =	shalt  }
0x6a: {  	_ =	shalt  }
0x6b: {  	_ =	shalt  }
0x6c: {  	_ =	shalt  }
0x6d: {  	_ =	shalt  }
0x6e: {  	_ =	shalt  }
0x6f: {  	_ =	shalt  }
0x70: {  	_ =	shalt  }
0x71: {  	_ =	shalt  }
0x72: {  	_ =	shalt  }
0x73: {  	_ =	shalt  }
0x74: {  	_ =	shalt  }
0x75: {  	_ =	shalt  }
0x76: {  	_ =	shalt  }
0x77: {  	_ =	shalt  }
0x78: {  	_ =	shalt  }
0x79: {  	_ =	shalt  }
0x7a: {  	_ =	shalt  }
0x7b: {  	_ =	shalt  }
0x7c: {  	_ =	shalt  }
0x7d: {  	_ =	shalt  }
0x7e: {  	_ =	shalt  }
0x7f: {  	_ =	shalt  }
0x80: {  	_ =	shalt  }
0x81: {  	_ =	shalt  }
0x82: {  	_ =	shalt  }
0x83: {  	_ =	shalt  }
0x84: {  	_ =	shalt  }
0x85: {  	_ =	shalt  }
0x86: {  	_ =	shalt  }
0x87: {  	_ =	shalt  }
.Lfunc_end0:
.L_simem_size_0:
called_computation.1_lowered:
.L_overlay_start_0:
0x88: {  	s2 =	sld [smem:$0x3FD9]  }
0x89: {  	s3 =	sld [smem:$0x3FFE];
	_ =	sdelay $0x1  }
0x8a: {  	s1 =	srdreg.scid  }
0x8b: {  	s0 =	sand.u32 $0x1, s1  }
0x8c: {  	s17 =	sshll.u32 s0, $0xA;
	s2 =	sadd.s32 s3, s2  }
0x8d: {  	s2 =	sadd.s32 s2, s17  }
0x8e: {  	[smem:$0x3FC4] =	sst s2  }
0x8f: {  	_ = 	snop  }
0x90: {  	s2 =	sld [smem:$0x3FC8]  }
0x91: {  	s18 =	sld [smem:$0x3FD0];
	(tm) =	ssettm $0x1  }
0x92: {  	s4 =	sld [smem:$0x3FFB];
	_ =	sdelay $0x3  }
0x93: {  	_ =	strace s4  }
0x94: {  	s4 =	sld [smem:$0x3FFC];
	_ =	sdelay $0x3  }
0x95: {  	_ =	strace s4  }
0x96: {  	s4 =	sld [smem:$0x3FFD];
	_ =	sdelay $0x3  }
0x97: {  	_ =	strace s4  }
0x98: {  	_ =	strace $0x8FFFFFFF  }
0x99: {  	s19 =	sld [smem:$0x3FDB];
	_ =	sdelay $0x1  }
0x9a: {  	s5 =	simm.s32 $_scs_section_size  }
0x9b: {  	s6 =	simm.s32 $_size__tile_overlayer_lowered;
	s7 =	simm.s32 $_tile_overlayer_lowered  }
0x9c: {  	s22 =	simm.s32 $0x1BFF;
	s21 =	sshll.u32 s7, $0x1;
	s4 =	sadd.s32 s5, s19  }
0x9d: {  	s8 =	simm.s32 $0x0;
	s20 =	sshll.u32 s6, $0x1;
	s6 =	sadd.s32 s21, s4  }
0x9e: {  	[timem:s8], [sflag:s22] =	dma.local [hbm:s6], s20  }
0x9f: {  	_ =	swait.ge [sflag:s22], s20  }
0xa0: {  	s5 =	ssub.s32 $0x0, s20;
	[sflag:s22] =	ssyncset.done $0x0  }
0xa1: {  	[sflag:s22] =	ssyncadd.s32 s5;
	_ =	sdelay $0x1  }
0xa2: {  	s23 =	simm.s32 $0x1B8B  }
0xa3: {  	_ =	swait.ge [sflag:s23], $0x1  }
0xa4: {  	[sflag:s23] =	ssyncset.done $0x0  }
0xa5: {  	s25 =	simm.s32 $0x1B8E;
	s24 =	sld [smem:$0x3FFE];
	[sflag:s23] =	ssyncadd.s32 $0xFFFFFFFF  }
0xa6: {  	s26 =	simm.s32 $execute0_lowered;
	[smem:$0x3FD2] =	sst s25  }
0xa7: {  	s6 =	sshll.u32 s26, $0x1;
	_ =	strace $0x80000049;
	[dreg:$0x1] =	wrdreg $0xFFFFFFFF  }
0xa8: {  	s28 =	simm.s32 $_size_execute0_lowered;
	s4 =	sadd.s32 s4, s6;
	[dreg:$0x0] =	wrdreg $0x0  }
0xa9: {  	s6 =	sshll.u32 s28, $0x1;
	[dreg:$0x2] =	wrdreg s4  }
0xaa: {  	[dreg:$0x3] =	wrdreg s6  }
0xab: {  	[dreg:$0x4] =	wrdreg $0xC0  }
0xac: {  	_ =	task [dreg:s8], $0x5FFFF  }
0xad: {  	[dreg:$0x1] =	wrdreg $0xFFFFFFFF  }
0xae: {  	[dreg:$0x0] =	wrdreg $0x60  }
0xaf: {  	[dreg:$0x2] =	wrdreg s2  }
0xb0: {  	[dreg:$0x3] =	wrdreg s18  }
0xb1: {  	[dreg:$0x4] =	wrdreg s24  }
0xb2: {  	[dreg:$0x5] =	wrdreg $0xA9000  }
0xb3: {  	[dreg:$0x6] =	wrdreg $0x9  }
0xb4: {  	_ =	task.clear_ibuf [dreg:s8], $0x7FFFF;
	_ =	strace $0x90000049  }
0xb5: {  	s29 =	simm.s32 $0x9;
	_ =	strace $0x8000004B  }
0xb6: {  	_ =	swait.ge [sflag:s29], $0x1  }
0xb7: {  	[sflag:s29] =	ssyncadd.s32 $0xFFFFFFFF  }
0xb8: {  	_ =	strace $0x9000004B  }
0xb9: {  	_ =	sfence  }
0xba: {  	s30 =	sld [smem:$0x0];
	_ =	sdelay $0x2  }
0xbb: {  	s31 =	sshll.u32 s1, $0xD;
	s1 =	sshrl.u32 s1, $0x2  }
0xbc: {  	s3 =	sand.u32 $0x4000, s31;
	s1 =	sadd.s32 s1, s30  }
0xbd: {  	s0 =	sor.u32 s3, s0;
	s1 =	sshll.u32 s1, $0x11  }
0xbe: {  	s0 =	sor.u32 s1, s0  }
0xbf: {  	s0 =	sadd.s32 $0x8F2B, s0  }
0xc0: {  	[sflag:s0] =	ssyncadd.remote.s32 $0x1  }
0xc1: {  	_ =	sfence.sel $0xFFFF  }
0xc2: {  	[dreg:$0x0] =	wrdreg $0xFFFFFFFF;
	(pc) =	sbr.abs _section_cstart, $3  }
0xc3: {  	[dreg:$0x1] =	wrdreg $0xFFFFFFFF  }
0xc4: {  	_ =	task.clear_ibuf [dreg:s8], $0x2FFFF;
	_ =	strace $0x9FFFFFFF  }
0xc5: {  	(tm) =	ssettm $0x7FFFFFFF  }
tec
execute0_lowered:
.L_overlay_start_1:
0x0: {  	(tag) =	ssettag $0x1  }
0x1: {  	s0 =	rddreg [dreg:$0x0]  }
0x2: {  	s1 =	rddreg [dreg:$0x1]  }
0x3: {  	s5 =	rddreg [dreg:$0x2]  }
0x4: {  	s3 =	rddreg [dreg:$0x3];
	s4 =	srdreg.scid  }
0x5: {  	s13 =	stileid.u32;
	s28 =	simm.s32 $0x5;
	s29 =	simm.s32 $0x2  }
0x6: {  	s30 =	simm.s32 $0x4;
	s31 =	simm.s32 $0x0;
	s9 =	smul.u32 $0x13C00, s13  }
0x7: {  	s6 =	sand.u32 $0x1, s4;
	s4 =	simm.s32 $0x0;
	s11 =	smul.u32 $0x4F000, s13  }
0x8: {  	s8 =	sshll.u32 s13, $0x1;
	s13 =	smul.u32 $0x5000, s13;
	s19 =	sadd.s32 $0x13600, s0  }
0x9: {  	s7 =	smul.u32 $0x13C000, s6;
	[smem:$0x7FF] =	sst s4;
	s8 =	sor.u32 s6, s8  }
0xa: {  	s17 =	ssub.s32 $0x2, s6;
	s6 =	smul.u32 $0x2800, s6;
	_ =	strace $0x8000004A  }
0xb: {  	s10 =	smul.u32 $0xA00, s8;
	s12 =	sshrl.u32 s17, $0x1;
	[dreg:$0x6] =	wrdreg s19  }
0xc: {  	s20 =	sshrl.u32 s11, $0x2;
	p0 =	seq.s32 s8, $0x1F;
	s19 =	simm.s32 $0x2900  }
0xd: {  	s7 =	sadd.s32 s9, s7;
	s9 =	ssub.s32 s17, s12;
	s6 =	sadd.s32 s6, s13  }
0xe: {  	s7 =	sshrl.u32 s7, $0x3;
	s18 =	sadd.s32 s0, s10;
	s22 =	sor.u32 $0x200, s6  }
0xf: {  	s11 =	smax.u32 s9, $0x1;
	s24 =	sor.u32 $0x180, s6;
	s25 =	sor.u32 $0x80, s6  }
0x10: {  	s6 =	sor.u32 $0x100, s6;
	s5 =	sadd.s32 s7, s5;
	[dreg:$0x5] =	wrdreg s18  }
0x11: {  	s7 =	sadd.s32 s20, s3;
	s18 =	sadd.s32 $0x10, s0;
	s23 =	sshrl.u32 s22, $0x2  }
0x12: {  	s26 =	sshrl.u32 s25, $0x2;
	s6 =	sshrl.u32 s6, $0x2;
	s20 =	simm.s32 $0x1  }
0x13: {  	s22 =	simm.s32 $0x2800;
	s25 =	simm.s32 $0x2880;
	s21 =	sadd.s32 $0x10000, s7  }
0x14: {  	s10 =	sadd.s32 s10, s18;
	s5 =	sadd.s32 $0x1600, s5;
	s12 =	sadd.s32 $0x4000, s7  }
0x15: {  	s13 =	sadd.s32 $0x8000, s7;
	s14 =	sadd.s32 $0xC000, s7;
	s17 =	sadd.s32 s26, s18  }
0x16: {  	s18 =	sadd.s32 s6, s18;
	[dreg:$0x9] =	wrdreg s5;
	s5 =	sadd.s32 s23, s0  }
0x17: {  	[dreg:$0x7] =	wrdreg s21;
	s15 =	sadd.s32 $0xFFFFFFD0, s5;
	s5 =	sshrl.u32 s24, $0x2  }
0x18: {  	s26 =	simm.s32 $0x3;
	[dreg:$0x8] =	wrdreg s10;
	s0 =	sadd.s32 s5, s0  }
0x19: {  	v0 =	vimm.f32 $0.0e+00;
	s21 =	simm.s32 $0x80;
	s23 =	simm.s32 $0x6900;
	s16 =	sadd.s32 $0xFFFFFFD0, s0  }
.LBB2_1:
0x1a: {  	s0 =	simm.s32 @p0 $0x80  }
0x1b: {  	s5 =	simm.s32 @p0 $0x100;
	s6 =	simm.s32 @p0 $0x0;
	s8 =	rddreg [dreg:$0x6]  }
0x1c: {  	[tilespmem:s6], [sflag:$0x2] =	stream.strided.gather @p0 [hbm4b:s8+s0], $0xA00, s5, s0, $0x38;
	[tilespmem:$0x1E500] =	vst v63  }
0x1d: {  	s0 =	simm.s32 @!p0 $0x80  }
0x1e: {  	s5 =	simm.s32 @!p0 $0x100;
	s6 =	simm.s32 @!p0 $0x0;
	s8 =	rddreg [dreg:$0x5]  }
0x1f: {  	[tilespmem:s6], [sflag:$0x2] =	stream.strided.gather @!p0 [hbm4b:s8+s0], $0x2800, s5, s0, $0x38;
	[tilespmem:$0x1E500] =	vst v63  }
0x20: {  	s0 =	simm.s32 $0x0;
	s5 =	simm.s32 $0x200  }
.LBB2_2:
0x21: {  	p1 =	sne.s32 s5, $0xFE00;
	[tilespmem:s0+$0x2970] =	vst v0  }
0x22: {  	[tilespmem:s0+$0x2900] =	vst v0  }
0x23: {  	[tilespmem:s0+$0x2910] =	vst v0  }
.Ltmp0:
0x24: {  	[tilespmem:s0+$0x2920] =	vst v0;
	(pc) =	sbr.rel @p1 .LBB2_2-.Ltmp0, $4  }
0x25: {  	[tilespmem:s0+$0x2930] =	vst v0  }
0x26: {  	[tilespmem:s0+$0x2940] =	vst v0  }
0x27: {  	[tilespmem:s0+$0x2950] =	vst v0  }
0x28: {  	[tilespmem:s0+$0x2960] =	vst v0;
	s0 =	sshra.s32 s5, $0x2;
	s5 =	sadd.s32 $0x200, s5  }
0x29: {  	[tilespmem:s0+$0x2970] =	vst v0  }
0x2a: {  	[tilespmem:s0+$0x2900] =	vst v0  }
0x2b: {  	[tilespmem:s0+$0x2910] =	vst v0  }
0x2c: {  	[tilespmem:s0+$0x2920] =	vst v0  }
0x2d: {  	[tilespmem:s0+$0x2930] =	vst v0  }
0x2e: {  	[tilespmem:s0+$0x2940] =	vst v0  }
0x2f: {  	[tilespmem:s0+$0x2950] =	vst v0  }
0x30: {  	[tilespmem:s0+$0x2960] =	vst v0  }
0x31: {  	[spmem:s7] =	stream.linear.scatter [tilespmem:s19], [sflag:$0x1], $0x4000, $0x38;
	[tilespmem:$0x1E500] =	vst v63  }
0x32: {  	_ = 	snop  }
0x33: {  	[spmem:s12] =	stream.linear.scatter [tilespmem:s19], [sflag:$0x1], $0x4000, $0x38;
	[tilespmem:$0x1E500] =	vst v63  }
0x34: {  	_ = 	snop  }
0x35: {  	[spmem:s13] =	stream.linear.scatter [tilespmem:s19], [sflag:$0x1], $0x4000, $0x38;
	[tilespmem:$0x1E500] =	vst v63  }
0x36: {  	_ = 	snop  }
0x37: {  	[spmem:s14] =	stream.linear.scatter [tilespmem:s19], [sflag:$0x1], $0x4000, $0x38;
	[tilespmem:$0x1E500] =	vst v63  }
0x38: {  	s10 =	rddreg [dreg:$0x7]  }
0x39: {  	[spmem:s10] =	stream.linear.scatter [tilespmem:s19], [sflag:$0x1], $0x3C00, $0x38;
	[tilespmem:$0x1E500] =	vst v63  }
0x3a: {  	_ =	swait.ge [sflag:s20], $0x4000  }
0x3b: {  	[sflag:s20] =	ssyncset.done $0x0  }
0x3c: {  	[sflag:s20] =	ssyncadd.s32 $0xFFFFC000  }
0x3d: {  	_ =	swait.ge [sflag:s20], $0x4000  }
0x3e: {  	[sflag:s20] =	ssyncset.done $0x0  }
0x3f: {  	[sflag:s20] =	ssyncadd.s32 $0xFFFFC000  }
0x40: {  	_ =	swait.ge [sflag:s20], $0x4000  }
0x41: {  	[sflag:s20] =	ssyncset.done $0x0  }
0x42: {  	[sflag:s20] =	ssyncadd.s32 $0xFFFFC000  }
0x43: {  	_ =	swait.ge [sflag:s20], $0x4000  }
0x44: {  	[sflag:s20] =	ssyncset.done $0x0  }
0x45: {  	[sflag:s20] =	ssyncadd.s32 $0xFFFFC000  }
0x46: {  	_ =	swait.ge [sflag:s20], $0x3C00  }
0x47: {  	[sflag:s20] =	ssyncset.done $0x0  }
0x48: {  	[sflag:s20] =	ssyncadd.s32 $0xFFFFC400  }
0x49: {  	s0 =	simm.s32 @p0 $0x2;
	[bflag:$0x0] =	sbarrier.arrive $0xFFFF  }
0x4a: {  	_ =	swait.ge @p0 [sflag:s0], $0xA00  }
0x4b: {  	[sflag:s0] =	ssyncset.done @p0 $0x0  }
0x4c: {  	[sflag:s0] =	ssyncadd.s32 @p0 $0xFFFFF600;
	s0 =	simm.s32 @!p0 $0x2  }
0x4d: {  	_ =	swait.ge @!p0 [sflag:s0], $0x2800  }
0x4e: {  	[sflag:s0] =	ssyncset.done @!p0 $0x0  }
0x4f: {  	[sflag:s0] =	ssyncadd.s32 @!p0 $0xFFFFD800;
	s0 =	simm.s32 @!p0 $0x28  }
0x50: {  	s0 =	simm.s32 @p0 $0xA  }
0x51: {  	s24 =	sshll.u32 s0, $0x6  }
0x52: {  	s8 =	sadd.s32 $0xFFFFFFC0, s24  }
0x53: {  	p2 =	sne.s32 s8, $0x40  }
.Ltmp1:
0x54: {  	s10 =	simm.s32 $0x0;
	(pc) =	sbr.rel @!p2 .LBB2_4-.Ltmp1, $4  }
0x55: {  	[tilespmem:s19], [sflag:$0x1] =	stream.indirect.gather [hbm4b:s1+s21], $0x80, s10, s21, $0xb8;
	[tilespmem:$0x1E500] =	vst v63  }
0x56: {  	s6 =	simm.s32 $0x1;
	s5 =	rddreg [dreg:$0x8]  }
0x57: {  	[tilespmem:s22], [sflag:$0x3] =	stream.linear.gather [hbm4b:s5+s10], $0x80, $0x38;
	[tilespmem:$0x1E500] =	vst v63  }
0x58: {  	s9 =	simm.s32 $0x40;
	p1 =	por $0x0, $0x0;
	s24 =	simm.s32 $0x100  }
0x59: {  	s5 =	simm.s32 $0x80  }
0x5a: {  	[tilespmem:s23], [sflag:$0x2] =	stream.indirect.gather [hbm4b:s1+s21], $0x80, s5, s21, $0xb8;
	[tilespmem:$0x1E500] =	vst v63  }
0x5b: {  	s10 =	sadd.s32 $0x0, s17  }
0x5c: {  	[tilespmem:s25], [sflag:$0x4] =	stream.linear.gather [hbm4b:s10+s4], $0x80, $0x38;
	[tilespmem:$0x1E500] =	vst v63  }
0x5d: {  	_ =	swait.ge [sflag:s20], $0x4000  }
0x5e: {  	[sflag:s20] =	ssyncset.done $0x0  }
0x5f: {  	[sflag:s20] =	ssyncadd.s32 $0xFFFFC000  }
0x60: {  	_ =	swait.ge [sflag:s26], $0x80  }
0x61: {  	[sflag:s26] =	ssyncset.done $0x0  }
0x62: {  	[sflag:s26] =	ssyncadd.s32 $0xFFFFFF80  }
0x63: {  	[spmem:s3] =	stream.indirect.scatter.add.f32 [tilespmem:s19], [sflag:$0x5], $0x80, s22, s21, $0xb8;
	[tilespmem:$0x1E500] =	vst v63  }
0x64: {  	_ =	swait.ge [sflag:s28], $0x4000  }
0x65: {  	[sflag:s28] =	ssyncset.done $0x0  }
0x66: {  	[sflag:s28] =	ssyncadd.s32 $0xFFFFC000  }
0x67: {  	[tilespmem:s19], [sflag:$0x1] =	stream.indirect.gather [hbm4b:s1+s21], $0x80, s24, s21, $0xb8;
	[tilespmem:$0x1E500] =	vst v63  }
0x68: {  	s24 =	sadd.s32 $0x0, s18  }
0x69: {  	[tilespmem:s22], [sflag:$0x3] =	stream.linear.gather [hbm4b:s24+s4], $0x80, $0x38;
	[tilespmem:$0x1E500] =	vst v63  }
0x6a: {  	_ =	swait.ge [sflag:s29], $0x4000  }
0x6b: {  	[sflag:s29] =	ssyncset.done $0x0  }
0x6c: {  	[sflag:s29] =	ssyncadd.s32 $0xFFFFC000  }
0x6d: {  	p2 =	sne.s32 s8, $0x80;
	_ =	swait.ge [sflag:s30], $0x80  }
.Ltmp2:
0x6e: {  	[sflag:s30] =	ssyncset.done $0x0;
	(pc) =	sbr.rel @!p2 .LBB2_6-.Ltmp2, $4  }
0x6f: {  	[sflag:s30] =	ssyncadd.s32 $0xFFFFFF80  }
0x70: {  	[spmem:s3] =	stream.indirect.scatter.add.f32 [tilespmem:s23], [sflag:$0x5], $0x80, s25, s21, $0xb8;
	[tilespmem:$0x1E500] =	vst v63  }
0x71: {  	s6 =	simm.s32 $0x2;
	p1 =	por $0x1, $0x1;
	_ =	swait.ge [sflag:s28], $0x4000  }
0x72: {  	s5 =	simm.s32 $0x80;
	s24 =	simm.s32 $0x200;
	[sflag:s28] =	ssyncset.done $0x0  }
.LBB2_7:
0x73: {  	s2 =	sadd.s32 $0xFFFFFF80, s24  }
0x74: {  	[sflag:s28] =	ssyncadd.s32 $0xFFFFC000;
	s10 =	smov.u32 s5;
	s5 =	sadd.s32 $0x40, s5  }
0x75: {  	[tilespmem:s23], [sflag:$0x2] =	stream.indirect.gather [hbm4b:s1+s21], $0x80, s2, s21, $0xb8;
	[tilespmem:$0x1E500] =	vst v63  }
0x76: {  	p2 =	sne.s32 s8, s5;
	s2 =	sadd.s32 s9, s17  }
0x77: {  	[tilespmem:s25], [sflag:$0x4] =	stream.linear.gather [hbm4b:s2+s4], $0x80, $0x38;
	[tilespmem:$0x1E500] =	vst v63  }
0x78: {  	_ =	swait.ge [sflag:s20], $0x4000  }
0x79: {  	[sflag:s20] =	ssyncset.done $0x0  }
0x7a: {  	[sflag:s20] =	ssyncadd.s32 $0xFFFFC000  }
0x7b: {  	_ =	swait.ge [sflag:s26], $0x80  }
0x7c: {  	[sflag:s26] =	ssyncset.done $0x0  }
0x7d: {  	[sflag:s26] =	ssyncadd.s32 $0xFFFFFF80  }
0x7e: {  	[spmem:s3] =	stream.indirect.scatter.add.f32 [tilespmem:s19], [sflag:$0x5], $0x80, s22, s21, $0xb8;
	[tilespmem:$0x1E500] =	vst v63  }
0x7f: {  	_ =	swait.ge [sflag:s28], $0x4000  }
0x80: {  	[sflag:s28] =	ssyncset.done $0x0  }
0x81: {  	[sflag:s28] =	ssyncadd.s32 $0xFFFFC000  }
0x82: {  	[tilespmem:s19], [sflag:$0x1] =	stream.indirect.gather [hbm4b:s1+s21], $0x80, s24, s21, $0xb8;
	[tilespmem:$0x1E500] =	vst v63  }
0x83: {  	s2 =	sadd.s32 s9, s18;
	s9 =	smov.u32 s10  }
0x84: {  	[tilespmem:s22], [sflag:$0x3] =	stream.linear.gather [hbm4b:s2+s4], $0x80, $0x38;
	[tilespmem:$0x1E500] =	vst v63  }
0x85: {  	_ =	swait.ge [sflag:s29], $0x4000  }
0x86: {  	[sflag:s29] =	ssyncset.done $0x0  }
0x87: {  	[sflag:s29] =	ssyncadd.s32 $0xFFFFC000  }
0x88: {  	_ =	swait.ge [sflag:s30], $0x80  }
.Ltmp3:
0x89: {  	[sflag:s30] =	ssyncset.done $0x0;
	(pc) =	sbr.rel @p2 .LBB2_7-.Ltmp3, $4  }
0x8a: {  	[sflag:s30] =	ssyncadd.s32 $0xFFFFFF80  }
0x8b: {  	[spmem:s3] =	stream.indirect.scatter.add.f32 [tilespmem:s23], [sflag:$0x5], $0x80, s25, s21, $0xb8;
	[tilespmem:$0x1E500] =	vst v63  }
0x8c: {  	s2 =	sadd.s32 $0x100, s24;
	_ =	swait.ge [sflag:s28], $0x4000  }
0x8d: {  	s6 =	sadd.s32 $0x1, s6;
	s24 =	smov.u32 s2;
	[sflag:s28] =	ssyncset.done $0x0  }
0x8e: {  	s24 =	smov.u32 s2;
	s10 =	smov.u32 s9  }
.LBB2_9:
0x8f: {  	s8 =	sadd.s32 $0xFFFFFF80, s24;
	[sflag:s28] =	ssyncadd.s32 @p1 $0xFFFFC000  }
0x90: {  	[tilespmem:s23], [sflag:$0x2] =	stream.indirect.gather [hbm4b:s1+s21], $0x80, s8, s21, $0xb8;
	[tilespmem:$0x1E500] =	vst v63  }
0x91: {  	s9 =	sadd.s32 s10, s17  }
0x92: {  	[tilespmem:s25], [sflag:$0x4] =	stream.linear.gather [hbm4b:s9+s4], $0x80, $0x38;
	[tilespmem:$0x1E500] =	vst v63  }
0x93: {  	_ =	swait.ge [sflag:s20], $0x4000  }
0x94: {  	[sflag:s20] =	ssyncset.done $0x0  }
0x95: {  	[sflag:s20] =	ssyncadd.s32 $0xFFFFC000  }
0x96: {  	_ =	swait.ge [sflag:s26], $0x80  }
0x97: {  	[sflag:s26] =	ssyncset.done $0x0  }
0x98: {  	[sflag:s26] =	ssyncadd.s32 $0xFFFFFF80  }
0x99: {  	[spmem:s3] =	stream.indirect.scatter.add.f32 [tilespmem:s19], [sflag:$0x5], $0x80, s22, s21, $0xb8;
	[tilespmem:$0x1E500] =	vst v63  }
0x9a: {  	_ =	swait.ge [sflag:s28], $0x4000  }
0x9b: {  	[sflag:s28] =	ssyncset.done $0x0  }
0x9c: {  	[sflag:s28] =	ssyncadd.s32 $0xFFFFC000  }
0x9d: {  	[tilespmem:s19], [sflag:$0x1] =	stream.indirect.gather [hbm4b:s1+s21], $0x80, s24, s21, $0xb8;
	[tilespmem:$0x1E500] =	vst v63  }
0x9e: {  	s10 =	sadd.s32 s10, s18  }
0x9f: {  	[tilespmem:s22], [sflag:$0x3] =	stream.linear.gather [hbm4b:s10+s4], $0x80, $0x38;
	[tilespmem:$0x1E500] =	vst v63  }
0xa0: {  	_ =	swait.ge [sflag:s29], $0x4000  }
0xa1: {  	[sflag:s29] =	ssyncset.done $0x0  }
0xa2: {  	[sflag:s29] =	ssyncadd.s32 $0xFFFFC000  }
0xa3: {  	_ =	swait.ge [sflag:s30], $0x80  }
0xa4: {  	[sflag:s30] =	ssyncset.done $0x0  }
0xa5: {  	[sflag:s30] =	ssyncadd.s32 $0xFFFFFF80  }
0xa6: {  	[spmem:s3] =	stream.indirect.scatter.add.f32 [tilespmem:s23], [sflag:$0x5], $0x80, s25, s21, $0xb8;
	[tilespmem:$0x1E500] =	vst v63  }
0xa7: {  	_ =	swait.ge [sflag:s28], $0x4000  }
0xa8: {  	[sflag:s28] =	ssyncset.done $0x0  }
0xa9: {  	s9 =	sadd.s32 $0x80, s2;
	[sflag:s28] =	ssyncadd.s32 $0xFFFFC000  }
0xaa: {  	[tilespmem:s23], [sflag:$0x2] =	stream.indirect.gather [hbm4b:s1+s21], $0x80, s9, s21, $0xb8;
	[tilespmem:$0x1E500] =	vst v63  }
0xab: {  	s10 =	sadd.s32 s5, s16  }
0xac: {  	[tilespmem:s25], [sflag:$0x4] =	stream.linear.gather [hbm4b:s10+s4], $0x80, $0x38;
	[tilespmem:$0x1E500] =	vst v63  }
0xad: {  	_ =	swait.ge [sflag:s20], $0x4000  }
0xae: {  	[sflag:s20] =	ssyncset.done $0x0  }
0xaf: {  	[sflag:s20] =	ssyncadd.s32 $0xFFFFC000  }
0xb0: {  	_ =	swait.ge [sflag:s26], $0x80  }
0xb1: {  	[sflag:s26] =	ssyncset.done $0x0  }
0xb2: {  	[sflag:s26] =	ssyncadd.s32 $0xFFFFFF80  }
0xb3: {  	[spmem:s3] =	stream.indirect.scatter.add.f32 [tilespmem:s19], [sflag:$0x5], $0x80, s22, s21, $0xb8;
	[tilespmem:$0x1E500] =	vst v63  }
0xb4: {  	s6 =	sadd.s32 $0x1, s6;
	_ =	swait.ge [sflag:s28], $0x4000  }
0xb5: {  	s8 =	sadd.s32 $0x100, s24;
	p1 =	sge.u32 s6, s0;
	[sflag:s28] =	ssyncset.done $0x0  }
0xb6: {  	s0 =	simm.s32 @!p1 $0x80;
	s6 =	simm.s32 @!p1 $0x2900;
	[sflag:s28] =	ssyncadd.s32 $0xFFFFC000  }
0xb7: {  	[tilespmem:s6], [sflag:$0x1] =	stream.indirect.gather @!p1 [hbm4b:s1+s0], $0x80, s8, s0, $0xb8;
	[tilespmem:$0x1E500] =	vst v63  }
0xb8: {  	s0 =	sadd.s32 @!p1 s5, s15;
	s5 =	simm.s32 @!p1 $0x0;
	s6 =	simm.s32 @!p1 $0x2800  }
0xb9: {  	[tilespmem:s6], [sflag:$0x3] =	stream.linear.gather @!p1 [hbm4b:s0+s5], $0x80, $0x38;
	[tilespmem:$0x1E500] =	vst v63  }
0xba: {  	_ =	swait.ge [sflag:s29], $0x4000  }
0xbb: {  	[sflag:s29] =	ssyncset.done $0x0  }
0xbc: {  	[sflag:s29] =	ssyncadd.s32 $0xFFFFC000  }
0xbd: {  	_ =	swait.ge [sflag:s30], $0x80  }
0xbe: {  	[sflag:s30] =	ssyncset.done $0x0  }
0xbf: {  	[sflag:s30] =	ssyncadd.s32 $0xFFFFFF80  }
0xc0: {  	[spmem:s3] =	stream.indirect.scatter.add.f32 [tilespmem:s23], [sflag:$0x5], $0x80, s25, s21, $0xb8;
	[tilespmem:$0x1E500] =	vst v63  }
0xc1: {  	_ =	swait.ge [sflag:s28], $0x4000  }
0xc2: {  	[sflag:s28] =	ssyncset.done $0x0  }
0xc3: {  	s31 =	sadd.s32 $0x1, s31;
	s9 =	stileid.u32;
	[sflag:s28] =	ssyncadd.s32 $0xFFFFC000  }
0xc4: {  	s10 =	sshrl.u32 s7, $0x3;
	s0 =	sshll.u32 s9, $0x6;
	[bflag:$0x0] =	sbarrier.arrive $0xFFFF  }
0xc5: {  	p1 =	sne.s32 s31, s11;
	s0 =	sor.u32 $0x1C05, s0;
	s24 =	rddreg [dreg:$0x9]  }
0xc6: {  	[hbm:s24], [sflag:s0] =	dma.local [spmem:s10], $0x2780  }
.Ltmp4:
0xc7: {  	_ = 	snop;
	(pc) =	sbr.rel @p1 .LBB2_1-.Ltmp4, $4  }
.Ltmp5:
0xc8: {  	_ = 	snop;
	(pc) =	sbr.rel @!p1 .LBB2_10-.Ltmp5, $4  }
0xc9: {  	_ =	swait.ge [sflag:s28], $0x2780  }
0xca: {  	[sflag:s28] =	ssyncset.done $0x0  }
0xcb: {  	[sflag:s28] =	ssyncadd.s32 $0xFFFFD880  }
0xcc: {  	_ = 	snop  }
.LBB2_4:
.Ltmp6:
0xcd: {  	(pc) =	sbr.rel .LBB2_9-.Ltmp6, $2  }
0xce: {  	_ =	sdelay $0x2  }
0xcf: {  	s5 =	simm.s32 $0x40  }
.LBB2_6:
.Ltmp7:
0xd0: {  	(pc) =	sbr.rel .LBB2_9-.Ltmp7, $2  }
0xd1: {  	_ =	sdelay $0x2  }
0xd2: {  	s10 =	simm.s32 $0x40  }
.LBB2_10:
0xd3: {  	_ =	sfence.sel $0x180000  }
0xd4: {  	[bflag:$0x0] =	sbarrier.arrive $0xFFFF  }
0xd5: {  	_ =	strace $0x9000004A  }
0xd6: {  	s0 =	stileid.u32;
	[bflag:$0x2] =	sbarrier.arrive $0xFFFF  }
0xd7: {  	p0 =	sne.s32 s0, $0x0;
	s0 =	rddreg [dreg:$0x4]  }
0xd8: {  	s0 =	sadd.s32 @!p0 $0x100000, s0  }
0xd9: {  	[sflag:s0] =	ssyncadd.tile.s32 @!p0 $0x1;
	_ =	shalt  }
.Lfunc_end2:
_tile_overlayer_lowered:
.L_overlay_start_2:
0xda: {  	(tag) =	ssettag $0x2  }
0xdb: {  	s0 =	rddreg [dreg:$0x0];
	s2 =	stileid.u32  }
0xdc: {  	s1 =	rddreg [dreg:$0x1];
	p0 =	sne.s32 s2, $0x0  }
0xdd: {  	s3 =	rddreg [dreg:$0x2];
	[bflag:$0x3] =	sbarrier.arrive $0xFFFF;
	s2 =	simm.s32 @!p0 $0x1C05  }
0xde: {  	[timem:s3], [sflag:s2] =	dma.local @!p0 [hbm:s0], s1  }
0xdf: {  	s0 =	simm.s32 @!p0 $0x5  }
0xe0: {  	_ =	swait.ge @!p0 [sflag:s0], s1  }
0xe1: {  	s1 =	ssub.s32 @!p0 $0x0, s1;
	[sflag:s0] =	ssyncset.done @!p0 $0x0  }
0xe2: {  	[sflag:s0] =	ssyncadd.s32 @!p0 s1  }
0xe3: {  	[bflag:$0x3] =	sbarrier.arrive $0xFFFF  }
0xe4: {  	_ =	shalt  }

// kernel: kernel.7.cloned.1.call-start
scs
__scs_entry_jumppad:
0x0: {  	(pc) =	sbr.rel $0x88, $3  }
0x1: {  	(tag) =	ssettag $0x0;
	lr =	simm.s32 $0x1  }
0x2: {  	[smem:$0x3F9D] =	sst lr;
	_ =	strace $0xD0000000  }
0x3: {  	_ = 	snop  }
0x4: {  	_ = 	snop  }
0x5: {  	_ = 	snop  }
0x6: {  	_ = 	snop  }
0x7: {  	_ = 	snop  }
__scs_overlays_trampoline_lowered:
0x8: {  	[smem:$0x3FAC] =	sst s0  }
0x9: {  	[smem:$0x3FAD] =	sst s1  }
0xa: {  	[smem:$0x3FAE] =	sst s2  }
0xb: {  	[smem:$0x3FAF] =	sst s3  }
0xc: {  	[smem:$0x3FB0] =	sst s4  }
0xd: {  	[smem:$0x3FB1] =	sst s5  }
0xe: {  	[smem:$0x3FB2] =	sst s6  }
0xf: {  	[smem:$0x3FB3] =	sst s7  }
0x10: {  	[smem:$0x3FB4] =	sst s8  }
0x11: {  	[smem:$0x3FB5] =	sst s9;
	s0 =	simm.s32 @!p0 $0x0  }
0x12: {  	s1 =	sld [smem:$0x3F9B];
	s0 =	simm.s32 @p0 $0x1  }
0x13: {  	[smem:$0x3FB6] =	sst s0;
	s0 =	simm.s32 @!p1 $0x0  }
0x14: {  	s2 =	sld [smem:$0x3F9A];
	s0 =	simm.s32 @p1 $0x1  }
0x15: {  	[smem:$0x3FB7] =	sst s0;
	s0 =	simm.s32 @!p2 $0x0  }
0x16: {  	s3 =	sld [smem:$0x3FDB];
	s0 =	simm.s32 @p2 $0x1  }
0x17: {  	s4 =	simm.s32 $0x1BF5;
	[smem:$0x3FB9] =	sst s0  }
0x18: {  	s0 =	sld [smem:$0x3F9C];
	_ =	swait.ge [sflag:s4], $0x0  }
0x19: {  	s7 =	sld [smem:$0x3F9D]  }
0x1a: {  	s8 =	sadd.s32 $0xFFFFE003, lr  }
0x1b: {  	s9 =	sadd.s32 $0xFFFFFEF7, lr;
	s5 =	simm.s32 $0xFFFFFFFF;
	p2 =	slt.u32 s8, $0xFFFFF086  }
0x1c: {  	p1 =	slt.u32 s9, $0xF7A;
	s5 =	simm.s32 @!p2 $0x0  }
0x1d: {  	s5 =	simm.s32 @p1 $0x1;
	p0 =	seq.s32 s7, s2  }
0x1e: {  	s7 =	smul.u32 @!p0 $0xF7A, s2;
	p2 =	seq.s32 @!p0 s5, $0x0  }
0x1f: {  	s9 =	smul.u32 $0xF7A, s1;
	s8 =	simm.s32 @!p0 $0x1BF5;
	p2 =	por !p2, p0  }
0x20: {  	[sflag:s8] =	ssyncset.s32 @!p0 $0xFFFFF086;
	s6 =	sadd.s32 @!p0 s3, s7;
	s7 =	simm.s32 @!p0 $0x108  }
0x21: {  	s3 =	sadd.s32 s3, s9;
	s6 =	sadd.s32 @!p0 $0x88, s6;
	s7 =	simm.s32 @p2 $0x1082  }
0x22: {  	[simem:s7], [sflag:s8] =	dma.local @!p0 [hbm:s6], $0xF7A  }
0x23: {  	s9 =	sor.u32 $0xD0000000, s2;
	s6 =	simm.s32 $0x108;
	_ =	swait.ge @!p0 [sflag:s8], $0x0  }
0x24: {  	s3 =	sadd.s32 $0x88, s3;
	s6 =	simm.s32 @!p1 $0x1082;
	[sflag:s4] =	ssyncset.s32 $0xFFFFF086  }
0x25: {  	[simem:s6], [sflag:s4] =	dma.local [hbm:s3], $0xF7A  }
0x26: {  	[smem:$0x3F9D] =	sst s1;
	(tag) =	ssettag s2;
	_ =	strace s9  }
0x27: {  	s1 =	sld [smem:$0x3FAD]  }
0x28: {  	s2 =	sld [smem:$0x3FAE]  }
0x29: {  	s4 =	sld [smem:$0x3FB0]  }
0x2a: {  	p0 =	seq.s32 s5, $0x0;
	s5 =	sld [smem:$0x3FB1]  }
0x2b: {  	s6 =	sld [smem:$0x3FB2]  }
0x2c: {  	s7 =	sld [smem:$0x3FB3]  }
0x2d: {  	s3 =	simm.s32 $0x108;
	s8 =	sld [smem:$0x3FB4]  }
0x2e: {  	s3 =	simm.s32 @!p0 $0x1082;
	s9 =	sld [smem:$0x3FB5]  }
0x2f: {  	lr =	sadd.s32 s0, s3;
	s0 =	sld [smem:$0x3FAC]  }
0x30: {  	s3 =	sld [smem:$0x3FAF]  }
0x31: {  	[smem:$0x3FB8] =	sst s10  }
0x32: {  	s10 =	sld [smem:$0x3FB6];
	_ =	sdelay $0x3  }
0x33: {  	p0 =	seq.s32 s10, $0x1;
	s10 =	sld [smem:$0x3FB8];
	_ =	sdelay $0x3  }
0x34: {  	[smem:$0x3FB8] =	sst s10  }
0x35: {  	s10 =	sld [smem:$0x3FB7];
	_ =	sdelay $0x3  }
0x36: {  	p1 =	seq.s32 s10, $0x1;
	s10 =	sld [smem:$0x3FB8];
	_ =	sdelay $0x3  }
0x37: {  	[smem:$0x3FB8] =	sst s10  }
0x38: {  	s10 =	sld [smem:$0x3FB9]  }
0x39: {  	_ = 	snop;
	(pc) =	sbr.ind lr, $3  }
0x3a: {  	_ = 	snop  }
0x3b: {  	_ = 	snop  }
0x3c: {  	p2 =	seq.s32 s10, $0x1;
	s10 =	sld [smem:$0x3FB8]  }
0x3d: {  	_ =	shalt  }
0x3e: {  	_ =	shalt  }
0x3f: {  	_ =	shalt  }
0x40: {  	_ =	shalt  }
0x41: {  	_ =	shalt  }
0x42: {  	_ =	shalt  }
0x43: {  	_ =	shalt  }
0x44: {  	_ =	shalt  }
0x45: {  	_ =	shalt  }
0x46: {  	_ =	shalt  }
0x47: {  	_ =	shalt  }
0x48: {  	_ =	shalt  }
0x49: {  	_ =	shalt  }
0x4a: {  	_ =	shalt  }
0x4b: {  	_ =	shalt  }
0x4c: {  	_ =	shalt  }
0x4d: {  	_ =	shalt  }
0x4e: {  	_ =	shalt  }
0x4f: {  	_ =	shalt  }
0x50: {  	_ =	shalt  }
0x51: {  	_ =	shalt  }
0x52: {  	_ =	shalt  }
0x53: {  	_ =	shalt  }
0x54: {  	_ =	shalt  }
0x55: {  	_ =	shalt  }
0x56: {  	_ =	shalt  }
0x57: {  	_ =	shalt  }
0x58: {  	_ =	shalt  }
0x59: {  	_ =	shalt  }
0x5a: {  	_ =	shalt  }
0x5b: {  	_ =	shalt  }
0x5c: {  	_ =	shalt  }
0x5d: {  	_ =	shalt  }
0x5e: {  	_ =	shalt  }
0x5f: {  	_ =	shalt  }
0x60: {  	_ =	shalt  }
0x61: {  	_ =	shalt  }
0x62: {  	_ =	shalt  }
0x63: {  	_ =	shalt  }
0x64: {  	_ =	shalt  }
0x65: {  	_ =	shalt  }
0x66: {  	_ =	shalt  }
0x67: {  	_ =	shalt  }
0x68: {  	_ =	shalt  }
0x69: {  	_ =	shalt  }
0x6a: {  	_ =	shalt  }
0x6b: {  	_ =	shalt  }
0x6c: {  	_ =	shalt  }
0x6d: {  	_ =	shalt  }
0x6e: {  	_ =	shalt  }
0x6f: {  	_ =	shalt  }
0x70: {  	_ =	shalt  }
0x71: {  	_ =	shalt  }
0x72: {  	_ =	shalt  }
0x73: {  	_ =	shalt  }
0x74: {  	_ =	shalt  }
0x75: {  	_ =	shalt  }
0x76: {  	_ =	shalt  }
0x77: {  	_ =	shalt  }
0x78: {  	_ =	shalt  }
0x79: {  	_ =	shalt  }
0x7a: {  	_ =	shalt  }
0x7b: {  	_ =	shalt  }
0x7c: {  	_ =	shalt  }
0x7d: {  	_ =	shalt  }
0x7e: {  	_ =	shalt  }
0x7f: {  	_ =	shalt  }
0x80: {  	_ =	shalt  }
0x81: {  	_ =	shalt  }
0x82: {  	_ =	shalt  }
0x83: {  	_ =	shalt  }
0x84: {  	_ =	shalt  }
0x85: {  	_ =	shalt  }
0x86: {  	_ =	shalt  }
0x87: {  	_ =	shalt  }
.Lfunc_end0:
.L_simem_size_0:
called_computation_lowered:
.L_overlay_start_0:
0x88: {  	s2 =	sld [smem:$0x3FD9]  }
0x89: {  	s3 =	sld [smem:$0x3FFE];
	_ =	sdelay $0x1  }
0x8a: {  	s1 =	srdreg.scid  }
0x8b: {  	s0 =	sand.u32 $0x1, s1  }
0x8c: {  	s18 =	sshll.u32 s0, $0xA;
	s2 =	sadd.s32 s3, s2  }
0x8d: {  	s2 =	sadd.s32 s2, s18  }
0x8e: {  	[smem:$0x3FC4] =	sst s2  }
0x8f: {  	_ = 	snop  }
0x90: {  	s2 =	sld [smem:$0x3FC8]  }
0x91: {  	s19 =	sld [smem:$0x3FD0];
	(tm) =	ssettm $0x1  }
0x92: {  	s4 =	sld [smem:$0x3FFB];
	_ =	sdelay $0x3  }
0x93: {  	_ =	strace s4  }
0x94: {  	s4 =	sld [smem:$0x3FFC];
	_ =	sdelay $0x3  }
0x95: {  	_ =	strace s4  }
0x96: {  	s4 =	sld [smem:$0x3FFD];
	_ =	sdelay $0x3  }
0x97: {  	_ =	strace s4  }
0x98: {  	_ =	strace $0x8FFFFFFF  }
0x99: {  	s20 =	sld [smem:$0x3FDB];
	_ =	sdelay $0x1  }
0x9a: {  	s5 =	simm.s32 $_scs_section_size  }
0x9b: {  	s6 =	simm.s32 $_size__tile_overlayer_lowered;
	s7 =	simm.s32 $_tile_overlayer_lowered  }
0x9c: {  	s23 =	simm.s32 $0x1BFF;
	s22 =	sshll.u32 s7, $0x1;
	s4 =	sadd.s32 s5, s20  }
0x9d: {  	s8 =	simm.s32 $0x0;
	s21 =	sshll.u32 s6, $0x1;
	s6 =	sadd.s32 s22, s4  }
0x9e: {  	[timem:s8], [sflag:s23] =	dma.local [hbm:s6], s21  }
0x9f: {  	_ =	swait.ge [sflag:s23], s21  }
0xa0: {  	s5 =	ssub.s32 $0x0, s21;
	[sflag:s23] =	ssyncset.done $0x0  }
0xa1: {  	[sflag:s23] =	ssyncadd.s32 s5;
	_ =	sdelay $0x1  }
0xa2: {  	s24 =	simm.s32 $0x1B8B  }
0xa3: {  	_ =	swait.ge [sflag:s24], $0x1  }
0xa4: {  	[sflag:s24] =	ssyncset.done $0x0  }
0xa5: {  	s25 =	simm.s32 $0x1B8E;
	[sflag:s24] =	ssyncadd.s32 $0xFFFFFFFF  }
0xa6: {  	s26 =	simm.s32 $execute0_lowered;
	[smem:$0x3FD2] =	sst s25  }
0xa7: {  	s5 =	sshll.u32 s26, $0x1;
	_ =	strace $0x80000046;
	[dreg:$0x1] =	wrdreg $0xFFFFFFFF  }
0xa8: {  	s28 =	simm.s32 $_size_execute0_lowered;
	s4 =	sadd.s32 s4, s5;
	[dreg:$0x0] =	wrdreg $0x0  }
0xa9: {  	s5 =	sshll.u32 s28, $0x1;
	[dreg:$0x2] =	wrdreg s4  }
0xaa: {  	[dreg:$0x3] =	wrdreg s5  }
0xab: {  	[dreg:$0x4] =	wrdreg $0xC0  }
0xac: {  	_ =	task [dreg:s8], $0x5FFFF  }
0xad: {  	[dreg:$0x1] =	wrdreg $0xFFFFFFFF  }
0xae: {  	[dreg:$0x0] =	wrdreg $0x60  }
0xaf: {  	[dreg:$0x2] =	wrdreg s2  }
0xb0: {  	[dreg:$0x3] =	wrdreg s19  }
0xb1: {  	[dreg:$0x4] =	wrdreg $0x9  }
0xb2: {  	_ =	task.clear_ibuf [dreg:s8], $0x5FFFF;
	_ =	strace $0x90000046  }
0xb3: {  	s29 =	simm.s32 $0x9;
	_ =	strace $0x80000048  }
0xb4: {  	_ =	swait.ge [sflag:s29], $0x1  }
0xb5: {  	[sflag:s29] =	ssyncadd.s32 $0xFFFFFFFF  }
0xb6: {  	_ =	strace $0x90000048  }
0xb7: {  	_ =	sfence  }
0xb8: {  	s30 =	sld [smem:$0x0];
	_ =	sdelay $0x2  }
0xb9: {  	s31 =	sshll.u32 s1, $0xD;
	s1 =	sshrl.u32 s1, $0x2  }
0xba: {  	s3 =	sand.u32 $0x4000, s31;
	s1 =	sadd.s32 s1, s30  }
0xbb: {  	s0 =	sor.u32 s3, s0;
	s1 =	sshll.u32 s1, $0x11  }
0xbc: {  	s0 =	sor.u32 s1, s0  }
0xbd: {  	s0 =	sadd.s32 $0x8F2B, s0  }
0xbe: {  	[sflag:s0] =	ssyncadd.remote.s32 $0x1  }
0xbf: {  	_ =	sfence.sel $0xFFFF  }
0xc0: {  	[dreg:$0x0] =	wrdreg $0xFFFFFFFF;
	(pc) =	sbr.abs _section_cstart, $3  }
0xc1: {  	[dreg:$0x1] =	wrdreg $0xFFFFFFFF  }
0xc2: {  	_ =	task.clear_ibuf [dreg:s8], $0x2FFFF;
	_ =	strace $0x9FFFFFFF  }
0xc3: {  	(tm) =	ssettm $0x7FFFFFFF  }
tec
execute0_lowered:
.L_overlay_start_1:
0x0: {  	(tag) =	ssettag $0x1  }
0x1: {  	s4 =	rddreg [dreg:$0x0]  }
0x2: {  	s5 =	rddreg [dreg:$0x1]  }
0x3: {  	s2 =	srdreg.scid;
	s1 =	stileid.u32  }
0x4: {  	s0 =	rddreg [dreg:$0x2];
	s3 =	sand.u32 $0x1, s2;
	s6 =	sshll.u32 s1, $0x1  }
0x5: {  	s2 =	simm.s32 $0x0;
	s29 =	sshrl.u32 s1, $0x2;
	s7 =	sor.u32 s3, s6  }
0x6: {  	[smem:$0x7FF] =	sst s2;
	s6 =	smul.u32 $0x13C00, s29;
	s3 =	ssub.s32 $0x2, s3  }
0x7: {  	s8 =	sshll.u32 s7, $0x7;
	s9 =	smul.u32 $0xA00, s7;
	_ =	strace $0x80000047  }
0x8: {  	s10 =	sshrl.u32 s3, $0x1;
	p0 =	seq.s32 s7, $0x1F;
	s7 =	simm.s32 $0x2800  }
0x9: {  	s8 =	sand.u32 $0x380, s8;
	s30 =	ssub.s32 s3, s10;
	s10 =	simm.s32 $0x1  }
0xa: {  	s6 =	sor.u32 s6, s8;
	s31 =	sadd.s32 s9, s4;
	s4 =	sadd.s32 $0x13610, s4  }
0xb: {  	s8 =	simm.s32 $0x80;
	s9 =	simm.s32 $0x400;
	s6 =	sshrl.u32 s6, $0x3  }
0xc: {  	v0 =	vimm.f32 $0.0e+00;
	v1 =	vimm.f32 $1.000000000e+00;
	s3 =	sadd.s32 $0x10, s31;
	s5 =	sadd.s32 s5, s6;
	s6 =	smax.u32 s30, $0x1  }
.LBB2_1:
0xd: {  	s11 =	simm.s32 $0x40;
	s12 =	simm.s32 $0x0  }
.LBB2_2:
0xe: {  	p1 =	sne.s32 s11, $0x9DC0;
	[tilespmem:s12+$0x2800] =	vst v0;
	s12 =	smov.u32 s11;
	s11 =	sadd.s32 $0x40, s11  }
.Ltmp0:
0xf: {  	(pc) =	sbr.rel @p1 .LBB2_2-.Ltmp0, $2  }
0x10: {  	_ =	sdelay $0x2  }
0x11: {  	s12 =	sshra.s32 s12, $0x2  }
0x12: {  	[tilespmem:s12+$0x2800] =	vst v0;
	s11 =	simm.s32 @p0 $0x80;
	s12 =	simm.s32 @p0 $0x100;
	s13 =	simm.s32 @p0 $0x0  }
0x13: {  	[tilespmem:s13], [sflag:$0x1] =	stream.strided.gather @p0 [hbm4b:s4+s11], $0xA00, s12, s11, $0x38;
	[tilespmem:$0x4F80] =	vst v63  }
0x14: {  	s11 =	simm.s32 @p0 $0x1  }
0x15: {  	_ =	swait.ge @p0 [sflag:s11], $0xA00  }
0x16: {  	s12 =	simm.s32 @!p0 $0x100;
	[sflag:s11] =	ssyncset.done @p0 $0x0  }
0x17: {  	s13 =	simm.s32 @!p0 $0x0;
	[sflag:s11] =	ssyncadd.s32 @p0 $0xFFFFF600;
	s11 =	simm.s32 @!p0 $0x80  }
0x18: {  	[tilespmem:s13], [sflag:$0x1] =	stream.strided.gather @!p0 [hbm4b:s3+s11], $0x2800, s12, s11, $0x38;
	[tilespmem:$0x4F80] =	vst v63  }
0x19: {  	s12 =	simm.s32 @!p0 $0x1  }
0x1a: {  	_ =	swait.ge @!p0 [sflag:s12], $0x2800  }
0x1b: {  	s11 =	simm.s32 @!p0 $0xA0;
	[sflag:s12] =	ssyncset.done @!p0 $0x0  }
0x1c: {  	s11 =	simm.s32 @p0 $0x28;
	[sflag:s12] =	ssyncadd.s32 @!p0 $0xFFFFD800;
	s12 =	simm.s32 $0x20  }
.LBB2_4:
0x1d: {  	v2 =	vld [tilespmem:s12+$0xFFFFFFE0];
	_ =	sdelay $0x7  }
0x1e: {  	[tilespmem:v2+s7+$0x0] =	vst.idx.add.f32.msk $0xffff, v1  }
0x1f: {  	v2 =	vld [tilespmem:s12+$0xFFFFFFF0];
	_ =	sdelay $0x7  }
0x20: {  	[tilespmem:v2+s7+$0x0] =	vst.idx.add.f32.msk $0xffff, v1  }
0x21: {  	v2 =	vld [tilespmem:s12+$0x0];
	_ =	sdelay $0x7  }
0x22: {  	[tilespmem:v2+s7+$0x0] =	vst.idx.add.f32.msk $0xffff, v1  }
0x23: {  	v2 =	vld [tilespmem:s12+$0x10];
	_ =	sdelay $0x2  }
0x24: {  	p1 =	sne.s32 s11, $0x1  }
.Ltmp1:
0x25: {  	_ = 	snop;
	(pc) =	sbr.rel @p1 .LBB2_4-.Ltmp1, $2  }
0x26: {  	_ =	sdelay $0x2  }
0x27: {  	s11 =	sadd.s32 $0xFFFFFFFF, s11;
	s12 =	sadd.s32 $0x40, s12;
	[tilespmem:v2+s7+$0x0] =	vst.idx.add.f32.msk $0xffff, v1  }
0x28: {  	s2 =	sadd.s32 $0x1, s2  }
0x29: {  	p1 =	sne.s32 s2, s6  }
.Ltmp2:
0x2a: {  	_ = 	snop;
	(pc) =	sbr.rel @p1 .LBB2_1-.Ltmp2, $4  }
0x2b: {  	[hbm4b:s5+s8] =	stream.strided.scatter [tilespmem:s7], [sflag:$0x1], $0x2780, s9, s8, $0x38;
	[tilespmem:$0x4F80] =	vst v63  }
0x2c: {  	_ =	swait.ge [sflag:s10], $0x2780  }
0x2d: {  	[sflag:s10] =	ssyncset.done $0x0  }
0x2e: {  	[sflag:s10] =	ssyncadd.s32 $0xFFFFD880  }
0x2f: {  	_ =	sfence.sel $0x180000  }
0x30: {  	[bflag:$0x0] =	sbarrier.arrive $0xFFFF  }
0x31: {  	p0 =	sne.s32 s1, $0x0;
	_ =	strace $0x90000047  }
0x32: {  	s0 =	sadd.s32 @!p0 $0x100000, s0;
	[bflag:$0x2] =	sbarrier.arrive $0xFFFF  }
0x33: {  	[sflag:s0] =	ssyncadd.tile.s32 @!p0 $0x1;
	_ =	shalt  }
.Lfunc_end2:
_tile_overlayer_lowered:
.L_overlay_start_2:
0x34: {  	(tag) =	ssettag $0x2  }
0x35: {  	s0 =	rddreg [dreg:$0x0];
	s2 =	stileid.u32  }
0x36: {  	s1 =	rddreg [dreg:$0x1];
	p0 =	sne.s32 s2, $0x0  }
0x37: {  	s3 =	rddreg [dreg:$0x2];
	[bflag:$0x3] =	sbarrier.arrive $0xFFFF;
	s2 =	simm.s32 @!p0 $0x1C01  }
0x38: {  	[timem:s3], [sflag:s2] =	dma.local @!p0 [hbm:s0], s1  }
0x39: {  	s0 =	simm.s32 @!p0 $0x1  }
0x3a: {  	_ =	swait.ge @!p0 [sflag:s0], s1  }
0x3b: {  	s1 =	ssub.s32 @!p0 $0x0, s1;
	[sflag:s0] =	ssyncset.done @!p0 $0x0  }
0x3c: {  	[sflag:s0] =	ssyncadd.s32 @!p0 s1  }
0x3d: {  	[bflag:$0x3] =	sbarrier.arrive $0xFFFF  }
0x3e: {  	_ =	shalt  }

</sc_bundles>
